<compile_context>
chip_gen: v7x
topology: tpu7x:2x2x1
jax: 0.10.2.dev20260603
libtpu: 0.0.44.dev20260713+nightly
codegen_flags: <defaults>
</compile_context>

<pallas_src>
import jax
import jax.numpy as jnp
from jax import lax
from jax.experimental import pallas as pl
from jax.experimental.pallas import tpu as pltpu
from jax.experimental.pallas import tpu_sc as plsc

NUM_CORES = 2
NUM_SUBCORES = 16
NW = NUM_CORES * NUM_SUBCORES

VOCAB = 100000
D = 1024
N_TOK = 4 * 4096

B_PER_W = N_TOK // NW
CHUNK = 16
N_CHUNK = B_PER_W // CHUNK


NBUF = 6


def _emb_kernel(table_hbm, ids_hbm, out_hbm, idx_v, rows, gsems, ssems):
    wid = lax.axis_index("s") * NUM_CORES + lax.axis_index("c")
    base = wid * B_PER_W
    pltpu.sync_copy(ids_hbm.at[pl.ds(base, B_PER_W)], idx_v)

    def gather(j):
        b = j % NBUF
        return pltpu.async_copy(
            table_hbm.at[idx_v.at[pl.ds(j * CHUNK, CHUNK)]], rows[b], gsems[b]
        )

    def store(j):
        b = j % NBUF
        return pltpu.async_copy(
            rows[b], out_hbm.at[pl.ds(base + j * CHUNK, CHUNK)], ssems[b]
        )

    g_desc = [None] * N_CHUNK
    s_desc = [None] * N_CHUNK
    for j in range(NBUF):
        g_desc[j] = gather(j)
    for j in range(N_CHUNK):
        g_desc[j].wait()
        s_desc[j] = store(j)
        if j + NBUF < N_CHUNK:
            s_desc[j].wait()
            g_desc[j + NBUF] = gather(j + NBUF)
    for j in range(N_CHUNK - NBUF, N_CHUNK):
        s_desc[j].wait()


@jax.jit
def _embed(ids_flat, table):
    kfn = pl.kernel(
        _emb_kernel,
        out_type=jax.ShapeDtypeStruct((N_TOK, D), jnp.float32),
        mesh=plsc.VectorSubcoreMesh(
            core_axis_name="c", subcore_axis_name="s",
            num_cores=NUM_CORES, num_subcores=NUM_SUBCORES,
        ),
        scratch_types=[
            pltpu.VMEM((B_PER_W,), jnp.int32),
            [pltpu.VMEM((CHUNK, D), jnp.float32) for _ in range(NBUF)],
            [pltpu.SemaphoreType.DMA for _ in range(NBUF)],
            [pltpu.SemaphoreType.DMA for _ in range(NBUF)],
        ],
    )
    return kfn(table, ids_flat)


def kernel(token_ids, table):
    ids_flat = token_ids.reshape(-1).astype(jnp.int32)
    out = _embed(ids_flat, table)
    return out.reshape(token_ids.shape + (D,))

# --- scband reference (transcript-rebuilt; emitter-appended) ---
"""Pipeline reference for scband-token-embedding-18468359373096 (READ-ONLY COPY).

The authoritative reference and input builder live on the scoring server;
editing this copy changes nothing except your own understanding.
"""

import jax, jax.numpy as jnp
import numpy as np

VOCAB = 100000
D_MODEL = 1024
B, T = 4, 4096

def setup_inputs(seed: int = 0) -> dict:
    key = jax.random.key(seed)
    k_idx, k_tab = jax.random.split(key)
    token_ids = jax.random.randint(k_idx, (B, T), 0, VOCAB, dtype=jnp.int64 if jax.config.jax_enable_x64 else jnp.int32)
    table = jax.random.normal(k_tab, (VOCAB, D_MODEL), dtype=jnp.float32) * 0.02
    return {"token_ids": token_ids, "table": table}

def reference(token_ids, table):
    # nn.Embedding forward: gather rows of the table by token id
    return jnp.take(table, token_ids, axis=0)  # (B, T, D)

if __name__ == "__main__":
    import jax
    _d = setup_inputs()
    print(jax.jit(kernel)(*tuple(_d.values())))

</pallas_src>

<mosaic_0001>
#map = affine_map<(d0, d1) -> (0, 0)>
#map1 = affine_map<(d0, d1) -> (0)>
module attributes {stable_mosaic.version = 14 : i64} {
  func.func @_emb_kernel(%arg0: i32, %arg1: i32, %arg2: memref<100000x1024xf32, #tpu.memory_space<hbm>>, %arg3: memref<16384xi32, #tpu.memory_space<hbm>>, %arg4: memref<16384x1024xf32, #tpu.memory_space<hbm>>, %arg5: memref<512xi32, #tpu.memory_space<vmem>>, %arg6: memref<16x1024xf32, #tpu.memory_space<vmem>>, %arg7: memref<16x1024xf32, #tpu.memory_space<vmem>>, %arg8: memref<16x1024xf32, #tpu.memory_space<vmem>>, %arg9: memref<16x1024xf32, #tpu.memory_space<vmem>>, %arg10: memref<16x1024xf32, #tpu.memory_space<vmem>>, %arg11: memref<16x1024xf32, #tpu.memory_space<vmem>>, %arg12: memref<!tpu.dma_semaphore, #tpu.memory_space<semaphore_mem>>, %arg13: memref<!tpu.dma_semaphore, #tpu.memory_space<semaphore_mem>>, %arg14: memref<!tpu.dma_semaphore, #tpu.memory_space<semaphore_mem>>, %arg15: memref<!tpu.dma_semaphore, #tpu.memory_space<semaphore_mem>>, %arg16: memref<!tpu.dma_semaphore, #tpu.memory_space<semaphore_mem>>, %arg17: memref<!tpu.dma_semaphore, #tpu.memory_space<semaphore_mem>>, %arg18: memref<!tpu.dma_semaphore, #tpu.memory_space<semaphore_mem>>, %arg19: memref<!tpu.dma_semaphore, #tpu.memory_space<semaphore_mem>>, %arg20: memref<!tpu.dma_semaphore, #tpu.memory_space<semaphore_mem>>, %arg21: memref<!tpu.dma_semaphore, #tpu.memory_space<semaphore_mem>>, %arg22: memref<!tpu.dma_semaphore, #tpu.memory_space<semaphore_mem>>, %arg23: memref<!tpu.dma_semaphore, #tpu.memory_space<semaphore_mem>>) attributes {dimension_semantics = [#tpu.dimension_semantics<core_parallel>, #tpu.dimension_semantics<subcore_parallel>], iteration_bounds = array<i64: 2, 16>, scalar_prefetch = 0 : i64, scratch_operands = 19 : i64, tpu.core_type = #tpu.core_type<sc_vector_subcore>, window_params = [{transform_indices = #map}, {transform_indices = #map1}, {transform_indices = #map}]} {
    %mul3A = arith.constant 2 : i32
    %mul3A_0 = arith.muli %arg1, %mul3A : i32
    %add3A = arith.addi %mul3A_0, %arg0 : i32
    %mul3A_1 = arith.constant 512 : i32
    %mul3A_2 = arith.muli %add3A, %mul3A_1 : i32
    "tpu.region"() ({
      %run_scoped3A = tpu.sem_alloc : memref<!tpu.dma_semaphore, #tpu.memory_space<semaphore_mem>>
      %dma_start3A_641 = tpu.memref_slice %arg3[%mul3A_2] : memref<16384xi32, #tpu.memory_space<hbm>> -> memref<512xi32, #tpu.memory_space<hbm>>
      %dma_start3A_642 = tpu.memref_slice %arg3[%mul3A_2] : memref<16384xi32, #tpu.memory_space<hbm>> -> memref<512xi32, #tpu.memory_space<hbm>>
      tpu.enqueue_dma source(%dma_start3A_642 : memref<512xi32, #tpu.memory_space<hbm>>) target(%arg5 : memref<512xi32, #tpu.memory_space<vmem>>) target_semaphore(%run_scoped3A : memref<!tpu.dma_semaphore, #tpu.memory_space<semaphore_mem>>)
      %dma_wait3A_643 = tpu.memref_slice %arg3[%mul3A_2] : memref<16384xi32, #tpu.memory_space<hbm>> -> memref<512xi32, #tpu.memory_space<hbm>>
      %dma_wait3A_644 = tpu.memref_slice %arg3[%mul3A_2] : memref<16384xi32, #tpu.memory_space<hbm>> -> memref<512xi32, #tpu.memory_space<hbm>>
      tpu.wait_dma2 semaphore(%run_scoped3A : memref<!tpu.dma_semaphore, #tpu.memory_space<semaphore_mem>>) src(%dma_wait3A_644 : memref<512xi32, #tpu.memory_space<hbm>>) dst(%arg5 : memref<512xi32, #tpu.memory_space<vmem>>)
      tpu.yield
    }) : () -> ()
    %dma_start3A = arith.constant 0 : i32
    %dma_start3A_3 = tpu.memref_slice %arg5[%dma_start3A] : memref<512xi32, #tpu.memory_space<vmem>> -> memref<16xi32, #tpu.memory_space<vmem>>
    %dma_start3A_4 = arith.constant 0 : i32
    %dma_start3A_5 = arith.constant 0 : i32
    %dma_start3A_6 = tpu.memref_slice %arg2[%dma_start3A_4, %dma_start3A_5] : memref<100000x1024xf32, #tpu.memory_space<hbm>> -> memref<100000x1024xf32, #tpu.memory_space<hbm>>
    tpu.enqueue_indirect_dma source(%dma_start3A_6 : memref<100000x1024xf32, #tpu.memory_space<hbm>>) target(%arg6 : memref<16x1024xf32, #tpu.memory_space<vmem>>) offsets(%dma_start3A_3 : memref<16xi32, #tpu.memory_space<vmem>>) semaphore(%arg12 : memref<!tpu.dma_semaphore, #tpu.memory_space<semaphore_mem>>)
    %dma_start3A_7 = arith.constant 16 : i32
    %dma_start3A_8 = tpu.memref_slice %arg5[%dma_start3A_7] : memref<512xi32, #tpu.memory_space<vmem>> -> memref<16xi32, #tpu.memory_space<vmem>>
    %dma_start3A_9 = arith.constant 0 : i32
    %dma_start3A_10 = arith.constant 0 : i32
    %dma_start3A_11 = tpu.memref_slice %arg2[%dma_start3A_9, %dma_start3A_10] : memref<100000x1024xf32, #tpu.memory_space<hbm>> -> memref<100000x1024xf32, #tpu.memory_space<hbm>>
    tpu.enqueue_indirect_dma source(%dma_start3A_11 : memref<100000x1024xf32, #tpu.memory_space<hbm>>) target(%arg7 : memref<16x1024xf32, #tpu.memory_space<vmem>>) offsets(%dma_start3A_8 : memref<16xi32, #tpu.memory_space<vmem>>) semaphore(%arg13 : memref<!tpu.dma_semaphore, #tpu.memory_space<semaphore_mem>>)
    %dma_start3A_12 = arith.constant 32 : i32
    %dma_start3A_13 = tpu.memref_slice %arg5[%dma_start3A_12] : memref<512xi32, #tpu.memory_space<vmem>> -> memref<16xi32, #tpu.memory_space<vmem>>
    %dma_start3A_14 = arith.constant 0 : i32
    %dma_start3A_15 = arith.constant 0 : i32
    %dma_start3A_16 = tpu.memref_slice %arg2[%dma_start3A_14, %dma_start3A_15] : memref<100000x1024xf32, #tpu.memory_space<hbm>> -> memref<100000x1024xf32, #tpu.memory_space<hbm>>
    tpu.enqueue_indirect_dma source(%dma_start3A_16 : memref<100000x1024xf32, #tpu.memory_space<hbm>>) target(%arg8 : memref<16x1024xf32, #tpu.memory_space<vmem>>) offsets(%dma_start3A_13 : memref<16xi32, #tpu.memory_space<vmem>>) semaphore(%arg14 : memref<!tpu.dma_semaphore, #tpu.memory_space<semaphore_mem>>)
    %dma_start3A_17 = arith.constant 48 : i32
    %dma_start3A_18 = tpu.memref_slice %arg5[%dma_start3A_17] : memref<512xi32, #tpu.memory_space<vmem>> -> memref<16xi32, #tpu.memory_space<vmem>>
    %dma_start3A_19 = arith.constant 0 : i32
    %dma_start3A_20 = arith.constant 0 : i32
    %dma_start3A_21 = tpu.memref_slice %arg2[%dma_start3A_19, %dma_start3A_20] : memref<100000x1024xf32, #tpu.memory_space<hbm>> -> memref<100000x1024xf32, #tpu.memory_space<hbm>>
    tpu.enqueue_indirect_dma source(%dma_start3A_21 : memref<100000x1024xf32, #tpu.memory_space<hbm>>) target(%arg9 : memref<16x1024xf32, #tpu.memory_space<vmem>>) offsets(%dma_start3A_18 : memref<16xi32, #tpu.memory_space<vmem>>) semaphore(%arg15 : memref<!tpu.dma_semaphore, #tpu.memory_space<semaphore_mem>>)
    %dma_start3A_22 = arith.constant 64 : i32
    %dma_start3A_23 = tpu.memref_slice %arg5[%dma_start3A_22] : memref<512xi32, #tpu.memory_space<vmem>> -> memref<16xi32, #tpu.memory_space<vmem>>
    %dma_start3A_24 = arith.constant 0 : i32
    %dma_start3A_25 = arith.constant 0 : i32
    %dma_start3A_26 = tpu.memref_slice %arg2[%dma_start3A_24, %dma_start3A_25] : memref<100000x1024xf32, #tpu.memory_space<hbm>> -> memref<100000x1024xf32, #tpu.memory_space<hbm>>
    tpu.enqueue_indirect_dma source(%dma_start3A_26 : memref<100000x1024xf32, #tpu.memory_space<hbm>>) target(%arg10 : memref<16x1024xf32, #tpu.memory_space<vmem>>) offsets(%dma_start3A_23 : memref<16xi32, #tpu.memory_space<vmem>>) semaphore(%arg16 : memref<!tpu.dma_semaphore, #tpu.memory_space<semaphore_mem>>)
    %dma_start3A_27 = arith.constant 80 : i32
    %dma_start3A_28 = tpu.memref_slice %arg5[%dma_start3A_27] : memref<512xi32, #tpu.memory_space<vmem>> -> memref<16xi32, #tpu.memory_space<vmem>>
    %dma_start3A_29 = arith.constant 0 : i32
    %dma_start3A_30 = arith.constant 0 : i32
    %dma_start3A_31 = tpu.memref_slice %arg2[%dma_start3A_29, %dma_start3A_30] : memref<100000x1024xf32, #tpu.memory_space<hbm>> -> memref<100000x1024xf32, #tpu.memory_space<hbm>>
    tpu.enqueue_indirect_dma source(%dma_start3A_31 : memref<100000x1024xf32, #tpu.memory_space<hbm>>) target(%arg11 : memref<16x1024xf32, #tpu.memory_space<vmem>>) offsets(%dma_start3A_28 : memref<16xi32, #tpu.memory_space<vmem>>) semaphore(%arg17 : memref<!tpu.dma_semaphore, #tpu.memory_space<semaphore_mem>>)
    %dma_wait3A = arith.constant 0 : i32
    %dma_wait3A_32 = tpu.memref_slice %arg5[%dma_wait3A] : memref<512xi32, #tpu.memory_space<vmem>> -> memref<16xi32, #tpu.memory_space<vmem>>
    %dma_wait3A_33 = arith.constant 0 : i32
    %dma_wait3A_34 = arith.constant 0 : i32
    %dma_wait3A_35 = tpu.memref_slice %arg2[%dma_wait3A_33, %dma_wait3A_34] : memref<100000x1024xf32, #tpu.memory_space<hbm>> -> memref<100000x1024xf32, #tpu.memory_space<hbm>>
    tpu.wait_indirect_dma semaphore(%arg12 : memref<!tpu.dma_semaphore, #tpu.memory_space<semaphore_mem>>) src(%dma_wait3A_35 : memref<100000x1024xf32, #tpu.memory_space<hbm>>) dst(%arg6 : memref<16x1024xf32, #tpu.memory_space<vmem>>)
    %add3A_36 = arith.constant 0 : i32
    %add3A_37 = arith.addi %mul3A_2, %add3A_36 : i32
    %dma_start3A_38 = arith.constant 0 : i32
    %dma_start3A_39 = tpu.memref_slice %arg4[%add3A_37, %dma_start3A_38] : memref<16384x1024xf32, #tpu.memory_space<hbm>> -> memref<16x1024xf32, #tpu.memory_space<hbm>>
    %dma_start3A_40 = arith.constant 0 : i32
    %dma_start3A_41 = tpu.memref_slice %arg4[%add3A_37, %dma_start3A_40] : memref<16384x1024xf32, #tpu.memory_space<hbm>> -> memref<16x1024xf32, #tpu.memory_space<hbm>>
    tpu.enqueue_dma source(%arg6 : memref<16x1024xf32, #tpu.memory_space<vmem>>) target(%dma_start3A_41 : memref<16x1024xf32, #tpu.memory_space<hbm>>) target_semaphore(%arg18 : memref<!tpu.dma_semaphore, #tpu.memory_space<semaphore_mem>>)
    %dma_wait3A_42 = arith.constant 0 : i32
    %dma_wait3A_43 = tpu.memref_slice %arg4[%add3A_37, %dma_wait3A_42] : memref<16384x1024xf32, #tpu.memory_space<hbm>> -> memref<16x1024xf32, #tpu.memory_space<hbm>>
    %dma_wait3A_44 = arith.constant 0 : i32
    %dma_wait3A_45 = tpu.memref_slice %arg4[%add3A_37, %dma_wait3A_44] : memref<16384x1024xf32, #tpu.memory_space<hbm>> -> memref<16x1024xf32, #tpu.memory_space<hbm>>
    tpu.wait_dma2 semaphore(%arg18 : memref<!tpu.dma_semaphore, #tpu.memory_space<semaphore_mem>>) src(%arg6 : memref<16x1024xf32, #tpu.memory_space<vmem>>) dst(%dma_wait3A_45 : memref<16x1024xf32, #tpu.memory_space<hbm>>)
    %dma_start3A_46 = arith.constant 96 : i32
    %dma_start3A_47 = tpu.memref_slice %arg5[%dma_start3A_46] : memref<512xi32, #tpu.memory_space<vmem>> -> memref<16xi32, #tpu.memory_space<vmem>>
    %dma_start3A_48 = arith.constant 0 : i32
    %dma_start3A_49 = arith.constant 0 : i32
    %dma_start3A_50 = tpu.memref_slice %arg2[%dma_start3A_48, %dma_start3A_49] : memref<100000x1024xf32, #tpu.memory_space<hbm>> -> memref<100000x1024xf32, #tpu.memory_space<hbm>>
    tpu.enqueue_indirect_dma source(%dma_start3A_50 : memref<100000x1024xf32, #tpu.memory_space<hbm>>) target(%arg6 : memref<16x1024xf32, #tpu.memory_space<vmem>>) offsets(%dma_start3A_47 : memref<16xi32, #tpu.memory_space<vmem>>) semaphore(%arg12 : memref<!tpu.dma_semaphore, #tpu.memory_space<semaphore_mem>>)
    %dma_wait3A_51 = arith.constant 16 : i32
    %dma_wait3A_52 = tpu.memref_slice %arg5[%dma_wait3A_51] : memref<512xi32, #tpu.memory_space<vmem>> -> memref<16xi32, #tpu.memory_space<vmem>>
    %dma_wait3A_53 = arith.constant 0 : i32
    %dma_wait3A_54 = arith.constant 0 : i32
    %dma_wait3A_55 = tpu.memref_slice %arg2[%dma_wait3A_53, %dma_wait3A_54] : memref<100000x1024xf32, #tpu.memory_space<hbm>> -> memref<100000x1024xf32, #tpu.memory_space<hbm>>
    tpu.wait_indirect_dma semaphore(%arg13 : memref<!tpu.dma_semaphore, #tpu.memory_space<semaphore_mem>>) src(%dma_wait3A_55 : memref<100000x1024xf32, #tpu.memory_space<hbm>>) dst(%arg7 : memref<16x1024xf32, #tpu.memory_space<vmem>>)
    %add3A_56 = arith.constant 16 : i32
    %add3A_57 = arith.addi %mul3A_2, %add3A_56 : i32
    %dma_start3A_58 = arith.constant 0 : i32
    %dma_start3A_59 = tpu.memref_slice %arg4[%add3A_57, %dma_start3A_58] : memref<16384x1024xf32, #tpu.memory_space<hbm>> -> memref<16x1024xf32, #tpu.memory_space<hbm>>
    %dma_start3A_60 = arith.constant 0 : i32
    %dma_start3A_61 = tpu.memref_slice %arg4[%add3A_57, %dma_start3A_60] : memref<16384x1024xf32, #tpu.memory_space<hbm>> -> memref<16x1024xf32, #tpu.memory_space<hbm>>
    tpu.enqueue_dma source(%arg7 : memref<16x1024xf32, #tpu.memory_space<vmem>>) target(%dma_start3A_61 : memref<16x1024xf32, #tpu.memory_space<hbm>>) target_semaphore(%arg19 : memref<!tpu.dma_semaphore, #tpu.memory_space<semaphore_mem>>)
    %dma_wait3A_62 = arith.constant 0 : i32
    %dma_wait3A_63 = tpu.memref_slice %arg4[%add3A_57, %dma_wait3A_62] : memref<16384x1024xf32, #tpu.memory_space<hbm>> -> memref<16x1024xf32, #tpu.memory_space<hbm>>
    %dma_wait3A_64 = arith.constant 0 : i32
    %dma_wait3A_65 = tpu.memref_slice %arg4[%add3A_57, %dma_wait3A_64] : memref<16384x1024xf32, #tpu.memory_space<hbm>> -> memref<16x1024xf32, #tpu.memory_space<hbm>>
    tpu.wait_dma2 semaphore(%arg19 : memref<!tpu.dma_semaphore, #tpu.memory_space<semaphore_mem>>) src(%arg7 : memref<16x1024xf32, #tpu.memory_space<vmem>>) dst(%dma_wait3A_65 : memref<16x1024xf32, #tpu.memory_space<hbm>>)
    %dma_start3A_66 = arith.constant 112 : i32
    %dma_start3A_67 = tpu.memref_slice %arg5[%dma_start3A_66] : memref<512xi32, #tpu.memory_space<vmem>> -> memref<16xi32, #tpu.memory_space<vmem>>
    %dma_start3A_68 = arith.constant 0 : i32
    %dma_start3A_69 = arith.constant 0 : i32
    %dma_start3A_70 = tpu.memref_slice %arg2[%dma_start3A_68, %dma_start3A_69] : memref<100000x1024xf32, #tpu.memory_space<hbm>> -> memref<100000x1024xf32, #tpu.memory_space<hbm>>
    tpu.enqueue_indirect_dma source(%dma_start3A_70 : memref<100000x1024xf32, #tpu.memory_space<hbm>>) target(%arg7 : memref<16x1024xf32, #tpu.memory_space<vmem>>) offsets(%dma_start3A_67 : memref<16xi32, #tpu.memory_space<vmem>>) semaphore(%arg13 : memref<!tpu.dma_semaphore, #tpu.memory_space<semaphore_mem>>)
    %dma_wait3A_71 = arith.constant 32 : i32
    %dma_wait3A_72 = tpu.memref_slice %arg5[%dma_wait3A_71] : memref<512xi32, #tpu.memory_space<vmem>> -> memref<16xi32, #tpu.memory_space<vmem>>
    %dma_wait3A_73 = arith.constant 0 : i32
    %dma_wait3A_74 = arith.constant 0 : i32
    %dma_wait3A_75 = tpu.memref_slice %arg2[%dma_wait3A_73, %dma_wait3A_74] : memref<100000x1024xf32, #tpu.memory_space<hbm>> -> memref<100000x1024xf32, #tpu.memory_space<hbm>>
    tpu.wait_indirect_dma semaphore(%arg14 : memref<!tpu.dma_semaphore, #tpu.memory_space<semaphore_mem>>) src(%dma_wait3A_75 : memref<100000x1024xf32, #tpu.memory_space<hbm>>) dst(%arg8 : memref<16x1024xf32, #tpu.memory_space<vmem>>)
    %add3A_76 = arith.constant 32 : i32
    %add3A_77 = arith.addi %mul3A_2, %add3A_76 : i32
    %dma_start3A_78 = arith.constant 0 : i32
    %dma_start3A_79 = tpu.memref_slice %arg4[%add3A_77, %dma_start3A_78] : memref<16384x1024xf32, #tpu.memory_space<hbm>> -> memref<16x1024xf32, #tpu.memory_space<hbm>>
    %dma_start3A_80 = arith.constant 0 : i32
    %dma_start3A_81 = tpu.memref_slice %arg4[%add3A_77, %dma_start3A_80] : memref<16384x1024xf32, #tpu.memory_space<hbm>> -> memref<16x1024xf32, #tpu.memory_space<hbm>>
    tpu.enqueue_dma source(%arg8 : memref<16x1024xf32, #tpu.memory_space<vmem>>) target(%dma_start3A_81 : memref<16x1024xf32, #tpu.memory_space<hbm>>) target_semaphore(%arg20 : memref<!tpu.dma_semaphore, #tpu.memory_space<semaphore_mem>>)
    %dma_wait3A_82 = arith.constant 0 : i32
    %dma_wait3A_83 = tpu.memref_slice %arg4[%add3A_77, %dma_wait3A_82] : memref<16384x1024xf32, #tpu.memory_space<hbm>> -> memref<16x1024xf32, #tpu.memory_space<hbm>>
    %dma_wait3A_84 = arith.constant 0 : i32
    %dma_wait3A_85 = tpu.memref_slice %arg4[%add3A_77, %dma_wait3A_84] : memref<16384x1024xf32, #tpu.memory_space<hbm>> -> memref<16x1024xf32, #tpu.memory_space<hbm>>
    tpu.wait_dma2 semaphore(%arg20 : memref<!tpu.dma_semaphore, #tpu.memory_space<semaphore_mem>>) src(%arg8 : memref<16x1024xf32, #tpu.memory_space<vmem>>) dst(%dma_wait3A_85 : memref<16x1024xf32, #tpu.memory_space<hbm>>)
    %dma_start3A_86 = arith.constant 128 : i32
    %dma_start3A_87 = tpu.memref_slice %arg5[%dma_start3A_86] : memref<512xi32, #tpu.memory_space<vmem>> -> memref<16xi32, #tpu.memory_space<vmem>>
    %dma_start3A_88 = arith.constant 0 : i32
    %dma_start3A_89 = arith.constant 0 : i32
    %dma_start3A_90 = tpu.memref_slice %arg2[%dma_start3A_88, %dma_start3A_89] : memref<100000x1024xf32, #tpu.memory_space<hbm>> -> memref<100000x1024xf32, #tpu.memory_space<hbm>>
    tpu.enqueue_indirect_dma source(%dma_start3A_90 : memref<100000x1024xf32, #tpu.memory_space<hbm>>) target(%arg8 : memref<16x1024xf32, #tpu.memory_space<vmem>>) offsets(%dma_start3A_87 : memref<16xi32, #tpu.memory_space<vmem>>) semaphore(%arg14 : memref<!tpu.dma_semaphore, #tpu.memory_space<semaphore_mem>>)
    %dma_wait3A_91 = arith.constant 48 : i32
    %dma_wait3A_92 = tpu.memref_slice %arg5[%dma_wait3A_91] : memref<512xi32, #tpu.memory_space<vmem>> -> memref<16xi32, #tpu.memory_space<vmem>>
    %dma_wait3A_93 = arith.constant 0 : i32
    %dma_wait3A_94 = arith.constant 0 : i32
    %dma_wait3A_95 = tpu.memref_slice %arg2[%dma_wait3A_93, %dma_wait3A_94] : memref<100000x1024xf32, #tpu.memory_space<hbm>> -> memref<100000x1024xf32, #tpu.memory_space<hbm>>
    tpu.wait_indirect_dma semaphore(%arg15 : memref<!tpu.dma_semaphore, #tpu.memory_space<semaphore_mem>>) src(%dma_wait3A_95 : memref<100000x1024xf32, #tpu.memory_space<hbm>>) dst(%arg9 : memref<16x1024xf32, #tpu.memory_space<vmem>>)
    %add3A_96 = arith.constant 48 : i32
    %add3A_97 = arith.addi %mul3A_2, %add3A_96 : i32
    %dma_start3A_98 = arith.constant 0 : i32
    %dma_start3A_99 = tpu.memref_slice %arg4[%add3A_97, %dma_start3A_98] : memref<16384x1024xf32, #tpu.memory_space<hbm>> -> memref<16x1024xf32, #tpu.memory_space<hbm>>
    %dma_start3A_100 = arith.constant 0 : i32
    %dma_start3A_101 = tpu.memref_slice %arg4[%add3A_97, %dma_start3A_100] : memref<16384x1024xf32, #tpu.memory_space<hbm>> -> memref<16x1024xf32, #tpu.memory_space<hbm>>
    tpu.enqueue_dma source(%arg9 : memref<16x1024xf32, #tpu.memory_space<vmem>>) target(%dma_start3A_101 : memref<16x1024xf32, #tpu.memory_space<hbm>>) target_semaphore(%arg21 : memref<!tpu.dma_semaphore, #tpu.memory_space<semaphore_mem>>)
    %dma_wait3A_102 = arith.constant 0 : i32
    %dma_wait3A_103 = tpu.memref_slice %arg4[%add3A_97, %dma_wait3A_102] : memref<16384x1024xf32, #tpu.memory_space<hbm>> -> memref<16x1024xf32, #tpu.memory_space<hbm>>
    %dma_wait3A_104 = arith.constant 0 : i32
    %dma_wait3A_105 = tpu.memref_slice %arg4[%add3A_97, %dma_wait3A_104] : memref<16384x1024xf32, #tpu.memory_space<hbm>> -> memref<16x1024xf32, #tpu.memory_space<hbm>>
    tpu.wait_dma2 semaphore(%arg21 : memref<!tpu.dma_semaphore, #tpu.memory_space<semaphore_mem>>) src(%arg9 : memref<16x1024xf32, #tpu.memory_space<vmem>>) dst(%dma_wait3A_105 : memref<16x1024xf32, #tpu.memory_space<hbm>>)
    %dma_start3A_106 = arith.constant 144 : i32
    %dma_start3A_107 = tpu.memref_slice %arg5[%dma_start3A_106] : memref<512xi32, #tpu.memory_space<vmem>> -> memref<16xi32, #tpu.memory_space<vmem>>
    %dma_start3A_108 = arith.constant 0 : i32
    %dma_start3A_109 = arith.constant 0 : i32
    %dma_start3A_110 = tpu.memref_slice %arg2[%dma_start3A_108, %dma_start3A_109] : memref<100000x1024xf32, #tpu.memory_space<hbm>> -> memref<100000x1024xf32, #tpu.memory_space<hbm>>
    tpu.enqueue_indirect_dma source(%dma_start3A_110 : memref<100000x1024xf32, #tpu.memory_space<hbm>>) target(%arg9 : memref<16x1024xf32, #tpu.memory_space<vmem>>) offsets(%dma_start3A_107 : memref<16xi32, #tpu.memory_space<vmem>>) semaphore(%arg15 : memref<!tpu.dma_semaphore, #tpu.memory_space<semaphore_mem>>)
    %dma_wait3A_111 = arith.constant 64 : i32
    %dma_wait3A_112 = tpu.memref_slice %arg5[%dma_wait3A_111] : memref<512xi32, #tpu.memory_space<vmem>> -> memref<16xi32, #tpu.memory_space<vmem>>
    %dma_wait3A_113 = arith.constant 0 : i32
    %dma_wait3A_114 = arith.constant 0 : i32
    %dma_wait3A_115 = tpu.memref_slice %arg2[%dma_wait3A_113, %dma_wait3A_114] : memref<100000x1024xf32, #tpu.memory_space<hbm>> -> memref<100000x1024xf32, #tpu.memory_space<hbm>>
    tpu.wait_indirect_dma semaphore(%arg16 : memref<!tpu.dma_semaphore, #tpu.memory_space<semaphore_mem>>) src(%dma_wait3A_115 : memref<100000x1024xf32, #tpu.memory_space<hbm>>) dst(%arg10 : memref<16x1024xf32, #tpu.memory_space<vmem>>)
    %add3A_116 = arith.constant 64 : i32
    %add3A_117 = arith.addi %mul3A_2, %add3A_116 : i32
    %dma_start3A_118 = arith.constant 0 : i32
    %dma_start3A_119 = tpu.memref_slice %arg4[%add3A_117, %dma_start3A_118] : memref<16384x1024xf32, #tpu.memory_space<hbm>> -> memref<16x1024xf32, #tpu.memory_space<hbm>>
    %dma_start3A_120 = arith.constant 0 : i32
    %dma_start3A_121 = tpu.memref_slice %arg4[%add3A_117, %dma_start3A_120] : memref<16384x1024xf32, #tpu.memory_space<hbm>> -> memref<16x1024xf32, #tpu.memory_space<hbm>>
    tpu.enqueue_dma source(%arg10 : memref<16x1024xf32, #tpu.memory_space<vmem>>) target(%dma_start3A_121 : memref<16x1024xf32, #tpu.memory_space<hbm>>) target_semaphore(%arg22 : memref<!tpu.dma_semaphore, #tpu.memory_space<semaphore_mem>>)
    %dma_wait3A_122 = arith.constant 0 : i32
    %dma_wait3A_123 = tpu.memref_slice %arg4[%add3A_117, %dma_wait3A_122] : memref<16384x1024xf32, #tpu.memory_space<hbm>> -> memref<16x1024xf32, #tpu.memory_space<hbm>>
    %dma_wait3A_124 = arith.constant 0 : i32
    %dma_wait3A_125 = tpu.memref_slice %arg4[%add3A_117, %dma_wait3A_124] : memref<16384x1024xf32, #tpu.memory_space<hbm>> -> memref<16x1024xf32, #tpu.memory_space<hbm>>
    tpu.wait_dma2 semaphore(%arg22 : memref<!tpu.dma_semaphore, #tpu.memory_space<semaphore_mem>>) src(%arg10 : memref<16x1024xf32, #tpu.memory_space<vmem>>) dst(%dma_wait3A_125 : memref<16x1024xf32, #tpu.memory_space<hbm>>)
    %dma_start3A_126 = arith.constant 160 : i32
    %dma_start3A_127 = tpu.memref_slice %arg5[%dma_start3A_126] : memref<512xi32, #tpu.memory_space<vmem>> -> memref<16xi32, #tpu.memory_space<vmem>>
    %dma_start3A_128 = arith.constant 0 : i32
    %dma_start3A_129 = arith.constant 0 : i32
    %dma_start3A_130 = tpu.memref_slice %arg2[%dma_start3A_128, %dma_start3A_129] : memref<100000x1024xf32, #tpu.memory_space<hbm>> -> memref<100000x1024xf32, #tpu.memory_space<hbm>>
    tpu.enqueue_indirect_dma source(%dma_start3A_130 : memref<100000x1024xf32, #tpu.memory_space<hbm>>) target(%arg10 : memref<16x1024xf32, #tpu.memory_space<vmem>>) offsets(%dma_start3A_127 : memref<16xi32, #tpu.memory_space<vmem>>) semaphore(%arg16 : memref<!tpu.dma_semaphore, #tpu.memory_space<semaphore_mem>>)
    %dma_wait3A_131 = arith.constant 80 : i32
    %dma_wait3A_132 = tpu.memref_slice %arg5[%dma_wait3A_131] : memref<512xi32, #tpu.memory_space<vmem>> -> memref<16xi32, #tpu.memory_space<vmem>>
    %dma_wait3A_133 = arith.constant 0 : i32
    %dma_wait3A_134 = arith.constant 0 : i32
    %dma_wait3A_135 = tpu.memref_slice %arg2[%dma_wait3A_133, %dma_wait3A_134] : memref<100000x1024xf32, #tpu.memory_space<hbm>> -> memref<100000x1024xf32, #tpu.memory_space<hbm>>
    tpu.wait_indirect_dma semaphore(%arg17 : memref<!tpu.dma_semaphore, #tpu.memory_space<semaphore_mem>>) src(%dma_wait3A_135 : memref<100000x1024xf32, #tpu.memory_space<hbm>>) dst(%arg11 : memref<16x1024xf32, #tpu.memory_space<vmem>>)
    %add3A_136 = arith.constant 80 : i32
    %add3A_137 = arith.addi %mul3A_2, %add3A_136 : i32
    %dma_start3A_138 = arith.constant 0 : i32
    %dma_start3A_139 = tpu.memref_slice %arg4[%add3A_137, %dma_start3A_138] : memref<16384x1024xf32, #tpu.memory_space<hbm>> -> memref<16x1024xf32, #tpu.memory_space<hbm>>
    %dma_start3A_140 = arith.constant 0 : i32
    %dma_start3A_141 = tpu.memref_slice %arg4[%add3A_137, %dma_start3A_140] : memref<16384x1024xf32, #tpu.memory_space<hbm>> -> memref<16x1024xf32, #tpu.memory_space<hbm>>
    tpu.enqueue_dma source(%arg11 : memref<16x1024xf32, #tpu.memory_space<vmem>>) target(%dma_start3A_141 : memref<16x1024xf32, #tpu.memory_space<hbm>>) target_semaphore(%arg23 : memref<!tpu.dma_semaphore, #tpu.memory_space<semaphore_mem>>)
    %dma_wait3A_142 = arith.constant 0 : i32
    %dma_wait3A_143 = tpu.memref_slice %arg4[%add3A_137, %dma_wait3A_142] : memref<16384x1024xf32, #tpu.memory_space<hbm>> -> memref<16x1024xf32, #tpu.memory_space<hbm>>
    %dma_wait3A_144 = arith.constant 0 : i32
    %dma_wait3A_145 = tpu.memref_slice %arg4[%add3A_137, %dma_wait3A_144] : memref<16384x1024xf32, #tpu.memory_space<hbm>> -> memref<16x1024xf32, #tpu.memory_space<hbm>>
    tpu.wait_dma2 semaphore(%arg23 : memref<!tpu.dma_semaphore, #tpu.memory_space<semaphore_mem>>) src(%arg11 : memref<16x1024xf32, #tpu.memory_space<vmem>>) dst(%dma_wait3A_145 : memref<16x1024xf32, #tpu.memory_space<hbm>>)
    %dma_start3A_146 = arith.constant 176 : i32
    %dma_start3A_147 = tpu.memref_slice %arg5[%dma_start3A_146] : memref<512xi32, #tpu.memory_space<vmem>> -> memref<16xi32, #tpu.memory_space<vmem>>
    %dma_start3A_148 = arith.constant 0 : i32
    %dma_start3A_149 = arith.constant 0 : i32
    %dma_start3A_150 = tpu.memref_slice %arg2[%dma_start3A_148, %dma_start3A_149] : memref<100000x1024xf32, #tpu.memory_space<hbm>> -> memref<100000x1024xf32, #tpu.memory_space<hbm>>
    tpu.enqueue_indirect_dma source(%dma_start3A_150 : memref<100000x1024xf32, #tpu.memory_space<hbm>>) target(%arg11 : memref<16x1024xf32, #tpu.memory_space<vmem>>) offsets(%dma_start3A_147 : memref<16xi32, #tpu.memory_space<vmem>>) semaphore(%arg17 : memref<!tpu.dma_semaphore, #tpu.memory_space<semaphore_mem>>)
    %dma_wait3A_151 = arith.constant 96 : i32
    %dma_wait3A_152 = tpu.memref_slice %arg5[%dma_wait3A_151] : memref<512xi32, #tpu.memory_space<vmem>> -> memref<16xi32, #tpu.memory_space<vmem>>
    %dma_wait3A_153 = arith.constant 0 : i32
    %dma_wait3A_154 = arith.constant 0 : i32
    %dma_wait3A_155 = tpu.memref_slice %arg2[%dma_wait3A_153, %dma_wait3A_154] : memref<100000x1024xf32, #tpu.memory_space<hbm>> -> memref<100000x1024xf32, #tpu.memory_space<hbm>>
    tpu.wait_indirect_dma semaphore(%arg12 : memref<!tpu.dma_semaphore, #tpu.memory_space<semaphore_mem>>) src(%dma_wait3A_155 : memref<100000x1024xf32, #tpu.memory_space<hbm>>) dst(%arg6 : memref<16x1024xf32, #tpu.memory_space<vmem>>)
    %add3A_156 = arith.constant 96 : i32
    %add3A_157 = arith.addi %mul3A_2, %add3A_156 : i32
    %dma_start3A_158 = arith.constant 0 : i32
    %dma_start3A_159 = tpu.memref_slice %arg4[%add3A_157, %dma_start3A_158] : memref<16384x1024xf32, #tpu.memory_space<hbm>> -> memref<16x1024xf32, #tpu.memory_space<hbm>>
    %dma_start3A_160 = arith.constant 0 : i32
    %dma_start3A_161 = tpu.memref_slice %arg4[%add3A_157, %dma_start3A_160] : memref<16384x1024xf32, #tpu.memory_space<hbm>> -> memref<16x1024xf32, #tpu.memory_space<hbm>>
    tpu.enqueue_dma source(%arg6 : memref<16x1024xf32, #tpu.memory_space<vmem>>) target(%dma_start3A_161 : memref<16x1024xf32, #tpu.memory_space<hbm>>) target_semaphore(%arg18 : memref<!tpu.dma_semaphore, #tpu.memory_space<semaphore_mem>>)
    %dma_wait3A_162 = arith.constant 0 : i32
    %dma_wait3A_163 = tpu.memref_slice %arg4[%add3A_157, %dma_wait3A_162] : memref<16384x1024xf32, #tpu.memory_space<hbm>> -> memref<16x1024xf32, #tpu.memory_space<hbm>>
    %dma_wait3A_164 = arith.constant 0 : i32
    %dma_wait3A_165 = tpu.memref_slice %arg4[%add3A_157, %dma_wait3A_164] : memref<16384x1024xf32, #tpu.memory_space<hbm>> -> memref<16x1024xf32, #tpu.memory_space<hbm>>
    tpu.wait_dma2 semaphore(%arg18 : memref<!tpu.dma_semaphore, #tpu.memory_space<semaphore_mem>>) src(%arg6 : memref<16x1024xf32, #tpu.memory_space<vmem>>) dst(%dma_wait3A_165 : memref<16x1024xf32, #tpu.memory_space<hbm>>)
    %dma_start3A_166 = arith.constant 192 : i32
    %dma_start3A_167 = tpu.memref_slice %arg5[%dma_start3A_166] : memref<512xi32, #tpu.memory_space<vmem>> -> memref<16xi32, #tpu.memory_space<vmem>>
    %dma_start3A_168 = arith.constant 0 : i32
    %dma_start3A_169 = arith.constant 0 : i32
    %dma_start3A_170 = tpu.memref_slice %arg2[%dma_start3A_168, %dma_start3A_169] : memref<100000x1024xf32, #tpu.memory_space<hbm>> -> memref<100000x1024xf32, #tpu.memory_space<hbm>>
    tpu.enqueue_indirect_dma source(%dma_start3A_170 : memref<100000x1024xf32, #tpu.memory_space<hbm>>) target(%arg6 : memref<16x1024xf32, #tpu.memory_space<vmem>>) offsets(%dma_start3A_167 : memref<16xi32, #tpu.memory_space<vmem>>) semaphore(%arg12 : memref<!tpu.dma_semaphore, #tpu.memory_space<semaphore_mem>>)
    %dma_wait3A_171 = arith.constant 112 : i32
    %dma_wait3A_172 = tpu.memref_slice %arg5[%dma_wait3A_171] : memref<512xi32, #tpu.memory_space<vmem>> -> memref<16xi32, #tpu.memory_space<vmem>>
    %dma_wait3A_173 = arith.constant 0 : i32
    %dma_wait3A_174 = arith.constant 0 : i32
    %dma_wait3A_175 = tpu.memref_slice %arg2[%dma_wait3A_173, %dma_wait3A_174] : memref<100000x1024xf32, #tpu.memory_space<hbm>> -> memref<100000x1024xf32, #tpu.memory_space<hbm>>
    tpu.wait_indirect_dma semaphore(%arg13 : memref<!tpu.dma_semaphore, #tpu.memory_space<semaphore_mem>>) src(%dma_wait3A_175 : memref<100000x1024xf32, #tpu.memory_space<hbm>>) dst(%arg7 : memref<16x1024xf32, #tpu.memory_space<vmem>>)
    %add3A_176 = arith.constant 112 : i32
    %add3A_177 = arith.addi %mul3A_2, %add3A_176 : i32
    %dma_start3A_178 = arith.constant 0 : i32
    %dma_start3A_179 = tpu.memref_slice %arg4[%add3A_177, %dma_start3A_178] : memref<16384x1024xf32, #tpu.memory_space<hbm>> -> memref<16x1024xf32, #tpu.memory_space<hbm>>
    %dma_start3A_180 = arith.constant 0 : i32
    %dma_start3A_181 = tpu.memref_slice %arg4[%add3A_177, %dma_start3A_180] : memref<16384x1024xf32, #tpu.memory_space<hbm>> -> memref<16x1024xf32, #tpu.memory_space<hbm>>
    tpu.enqueue_dma source(%arg7 : memref<16x1024xf32, #tpu.memory_space<vmem>>) target(%dma_start3A_181 : memref<16x1024xf32, #tpu.memory_space<hbm>>) target_semaphore(%arg19 : memref<!tpu.dma_semaphore, #tpu.memory_space<semaphore_mem>>)
    %dma_wait3A_182 = arith.constant 0 : i32
    %dma_wait3A_183 = tpu.memref_slice %arg4[%add3A_177, %dma_wait3A_182] : memref<16384x1024xf32, #tpu.memory_space<hbm>> -> memref<16x1024xf32, #tpu.memory_space<hbm>>
    %dma_wait3A_184 = arith.constant 0 : i32
    %dma_wait3A_185 = tpu.memref_slice %arg4[%add3A_177, %dma_wait3A_184] : memref<16384x1024xf32, #tpu.memory_space<hbm>> -> memref<16x1024xf32, #tpu.memory_space<hbm>>
    tpu.wait_dma2 semaphore(%arg19 : memref<!tpu.dma_semaphore, #tpu.memory_space<semaphore_mem>>) src(%arg7 : memref<16x1024xf32, #tpu.memory_space<vmem>>) dst(%dma_wait3A_185 : memref<16x1024xf32, #tpu.memory_space<hbm>>)
    %dma_start3A_186 = arith.constant 208 : i32
    %dma_start3A_187 = tpu.memref_slice %arg5[%dma_start3A_186] : memref<512xi32, #tpu.memory_space<vmem>> -> memref<16xi32, #tpu.memory_space<vmem>>
    %dma_start3A_188 = arith.constant 0 : i32
    %dma_start3A_189 = arith.constant 0 : i32
    %dma_start3A_190 = tpu.memref_slice %arg2[%dma_start3A_188, %dma_start3A_189] : memref<100000x1024xf32, #tpu.memory_space<hbm>> -> memref<100000x1024xf32, #tpu.memory_space<hbm>>
    tpu.enqueue_indirect_dma source(%dma_start3A_190 : memref<100000x1024xf32, #tpu.memory_space<hbm>>) target(%arg7 : memref<16x1024xf32, #tpu.memory_space<vmem>>) offsets(%dma_start3A_187 : memref<16xi32, #tpu.memory_space<vmem>>) semaphore(%arg13 : memref<!tpu.dma_semaphore, #tpu.memory_space<semaphore_mem>>)
    %dma_wait3A_191 = arith.constant 128 : i32
    %dma_wait3A_192 = tpu.memref_slice %arg5[%dma_wait3A_191] : memref<512xi32, #tpu.memory_space<vmem>> -> memref<16xi32, #tpu.memory_space<vmem>>
    %dma_wait3A_193 = arith.constant 0 : i32
    %dma_wait3A_194 = arith.constant 0 : i32
    %dma_wait3A_195 = tpu.memref_slice %arg2[%dma_wait3A_193, %dma_wait3A_194] : memref<100000x1024xf32, #tpu.memory_space<hbm>> -> memref<100000x1024xf32, #tpu.memory_space<hbm>>
    tpu.wait_indirect_dma semaphore(%arg14 : memref<!tpu.dma_semaphore, #tpu.memory_space<semaphore_mem>>) src(%dma_wait3A_195 : memref<100000x1024xf32, #tpu.memory_space<hbm>>) dst(%arg8 : memref<16x1024xf32, #tpu.memory_space<vmem>>)
    %add3A_196 = arith.constant 128 : i32
    %add3A_197 = arith.addi %mul3A_2, %add3A_196 : i32
    %dma_start3A_198 = arith.constant 0 : i32
    %dma_start3A_199 = tpu.memref_slice %arg4[%add3A_197, %dma_start3A_198] : memref<16384x1024xf32, #tpu.memory_space<hbm>> -> memref<16x1024xf32, #tpu.memory_space<hbm>>
    %dma_start3A_200 = arith.constant 0 : i32
    %dma_start3A_201 = tpu.memref_slice %arg4[%add3A_197, %dma_start3A_200] : memref<16384x1024xf32, #tpu.memory_space<hbm>> -> memref<16x1024xf32, #tpu.memory_space<hbm>>
    tpu.enqueue_dma source(%arg8 : memref<16x1024xf32, #tpu.memory_space<vmem>>) target(%dma_start3A_201 : memref<16x1024xf32, #tpu.memory_space<hbm>>) target_semaphore(%arg20 : memref<!tpu.dma_semaphore, #tpu.memory_space<semaphore_mem>>)
    %dma_wait3A_202 = arith.constant 0 : i32
    %dma_wait3A_203 = tpu.memref_slice %arg4[%add3A_197, %dma_wait3A_202] : memref<16384x1024xf32, #tpu.memory_space<hbm>> -> memref<16x1024xf32, #tpu.memory_space<hbm>>
    %dma_wait3A_204 = arith.constant 0 : i32
    %dma_wait3A_205 = tpu.memref_slice %arg4[%add3A_197, %dma_wait3A_204] : memref<16384x1024xf32, #tpu.memory_space<hbm>> -> memref<16x1024xf32, #tpu.memory_space<hbm>>
    tpu.wait_dma2 semaphore(%arg20 : memref<!tpu.dma_semaphore, #tpu.memory_space<semaphore_mem>>) src(%arg8 : memref<16x1024xf32, #tpu.memory_space<vmem>>) dst(%dma_wait3A_205 : memref<16x1024xf32, #tpu.memory_space<hbm>>)
    %dma_start3A_206 = arith.constant 224 : i32
    %dma_start3A_207 = tpu.memref_slice %arg5[%dma_start3A_206] : memref<512xi32, #tpu.memory_space<vmem>> -> memref<16xi32, #tpu.memory_space<vmem>>
    %dma_start3A_208 = arith.constant 0 : i32
    %dma_start3A_209 = arith.constant 0 : i32
    %dma_start3A_210 = tpu.memref_slice %arg2[%dma_start3A_208, %dma_start3A_209] : memref<100000x1024xf32, #tpu.memory_space<hbm>> -> memref<100000x1024xf32, #tpu.memory_space<hbm>>
    tpu.enqueue_indirect_dma source(%dma_start3A_210 : memref<100000x1024xf32, #tpu.memory_space<hbm>>) target(%arg8 : memref<16x1024xf32, #tpu.memory_space<vmem>>) offsets(%dma_start3A_207 : memref<16xi32, #tpu.memory_space<vmem>>) semaphore(%arg14 : memref<!tpu.dma_semaphore, #tpu.memory_space<semaphore_mem>>)
    %dma_wait3A_211 = arith.constant 144 : i32
    %dma_wait3A_212 = tpu.memref_slice %arg5[%dma_wait3A_211] : memref<512xi32, #tpu.memory_space<vmem>> -> memref<16xi32, #tpu.memory_space<vmem>>
    %dma_wait3A_213 = arith.constant 0 : i32
    %dma_wait3A_214 = arith.constant 0 : i32
    %dma_wait3A_215 = tpu.memref_slice %arg2[%dma_wait3A_213, %dma_wait3A_214] : memref<100000x1024xf32, #tpu.memory_space<hbm>> -> memref<100000x1024xf32, #tpu.memory_space<hbm>>
    tpu.wait_indirect_dma semaphore(%arg15 : memref<!tpu.dma_semaphore, #tpu.memory_space<semaphore_mem>>) src(%dma_wait3A_215 : memref<100000x1024xf32, #tpu.memory_space<hbm>>) dst(%arg9 : memref<16x1024xf32, #tpu.memory_space<vmem>>)
    %add3A_216 = arith.constant 144 : i32
    %add3A_217 = arith.addi %mul3A_2, %add3A_216 : i32
    %dma_start3A_218 = arith.constant 0 : i32
    %dma_start3A_219 = tpu.memref_slice %arg4[%add3A_217, %dma_start3A_218] : memref<16384x1024xf32, #tpu.memory_space<hbm>> -> memref<16x1024xf32, #tpu.memory_space<hbm>>
    %dma_start3A_220 = arith.constant 0 : i32
    %dma_start3A_221 = tpu.memref_slice %arg4[%add3A_217, %dma_start3A_220] : memref<16384x1024xf32, #tpu.memory_space<hbm>> -> memref<16x1024xf32, #tpu.memory_space<hbm>>
    tpu.enqueue_dma source(%arg9 : memref<16x1024xf32, #tpu.memory_space<vmem>>) target(%dma_start3A_221 : memref<16x1024xf32, #tpu.memory_space<hbm>>) target_semaphore(%arg21 : memref<!tpu.dma_semaphore, #tpu.memory_space<semaphore_mem>>)
    %dma_wait3A_222 = arith.constant 0 : i32
    %dma_wait3A_223 = tpu.memref_slice %arg4[%add3A_217, %dma_wait3A_222] : memref<16384x1024xf32, #tpu.memory_space<hbm>> -> memref<16x1024xf32, #tpu.memory_space<hbm>>
    %dma_wait3A_224 = arith.constant 0 : i32
    %dma_wait3A_225 = tpu.memref_slice %arg4[%add3A_217, %dma_wait3A_224] : memref<16384x1024xf32, #tpu.memory_space<hbm>> -> memref<16x1024xf32, #tpu.memory_space<hbm>>
    tpu.wait_dma2 semaphore(%arg21 : memref<!tpu.dma_semaphore, #tpu.memory_space<semaphore_mem>>) src(%arg9 : memref<16x1024xf32, #tpu.memory_space<vmem>>) dst(%dma_wait3A_225 : memref<16x1024xf32, #tpu.memory_space<hbm>>)
    %dma_start3A_226 = arith.constant 240 : i32
    %dma_start3A_227 = tpu.memref_slice %arg5[%dma_start3A_226] : memref<512xi32, #tpu.memory_space<vmem>> -> memref<16xi32, #tpu.memory_space<vmem>>
    %dma_start3A_228 = arith.constant 0 : i32
    %dma_start3A_229 = arith.constant 0 : i32
    %dma_start3A_230 = tpu.memref_slice %arg2[%dma_start3A_228, %dma_start3A_229] : memref<100000x1024xf32, #tpu.memory_space<hbm>> -> memref<100000x1024xf32, #tpu.memory_space<hbm>>
    tpu.enqueue_indirect_dma source(%dma_start3A_230 : memref<100000x1024xf32, #tpu.memory_space<hbm>>) target(%arg9 : memref<16x1024xf32, #tpu.memory_space<vmem>>) offsets(%dma_start3A_227 : memref<16xi32, #tpu.memory_space<vmem>>) semaphore(%arg15 : memref<!tpu.dma_semaphore, #tpu.memory_space<semaphore_mem>>)
    %dma_wait3A_231 = arith.constant 160 : i32
    %dma_wait3A_232 = tpu.memref_slice %arg5[%dma_wait3A_231] : memref<512xi32, #tpu.memory_space<vmem>> -> memref<16xi32, #tpu.memory_space<vmem>>
    %dma_wait3A_233 = arith.constant 0 : i32
    %dma_wait3A_234 = arith.constant 0 : i32
    %dma_wait3A_235 = tpu.memref_slice %arg2[%dma_wait3A_233, %dma_wait3A_234] : memref<100000x1024xf32, #tpu.memory_space<hbm>> -> memref<100000x1024xf32, #tpu.memory_space<hbm>>
    tpu.wait_indirect_dma semaphore(%arg16 : memref<!tpu.dma_semaphore, #tpu.memory_space<semaphore_mem>>) src(%dma_wait3A_235 : memref<100000x1024xf32, #tpu.memory_space<hbm>>) dst(%arg10 : memref<16x1024xf32, #tpu.memory_space<vmem>>)
    %add3A_236 = arith.constant 160 : i32
    %add3A_237 = arith.addi %mul3A_2, %add3A_236 : i32
    %dma_start3A_238 = arith.constant 0 : i32
    %dma_start3A_239 = tpu.memref_slice %arg4[%add3A_237, %dma_start3A_238] : memref<16384x1024xf32, #tpu.memory_space<hbm>> -> memref<16x1024xf32, #tpu.memory_space<hbm>>
    %dma_start3A_240 = arith.constant 0 : i32
    %dma_start3A_241 = tpu.memref_slice %arg4[%add3A_237, %dma_start3A_240] : memref<16384x1024xf32, #tpu.memory_space<hbm>> -> memref<16x1024xf32, #tpu.memory_space<hbm>>
    tpu.enqueue_dma source(%arg10 : memref<16x1024xf32, #tpu.memory_space<vmem>>) target(%dma_start3A_241 : memref<16x1024xf32, #tpu.memory_space<hbm>>) target_semaphore(%arg22 : memref<!tpu.dma_semaphore, #tpu.memory_space<semaphore_mem>>)
    %dma_wait3A_242 = arith.constant 0 : i32
    %dma_wait3A_243 = tpu.memref_slice %arg4[%add3A_237, %dma_wait3A_242] : memref<16384x1024xf32, #tpu.memory_space<hbm>> -> memref<16x1024xf32, #tpu.memory_space<hbm>>
    %dma_wait3A_244 = arith.constant 0 : i32
    %dma_wait3A_245 = tpu.memref_slice %arg4[%add3A_237, %dma_wait3A_244] : memref<16384x1024xf32, #tpu.memory_space<hbm>> -> memref<16x1024xf32, #tpu.memory_space<hbm>>
    tpu.wait_dma2 semaphore(%arg22 : memref<!tpu.dma_semaphore, #tpu.memory_space<semaphore_mem>>) src(%arg10 : memref<16x1024xf32, #tpu.memory_space<vmem>>) dst(%dma_wait3A_245 : memref<16x1024xf32, #tpu.memory_space<hbm>>)
    %dma_start3A_246 = arith.constant 256 : i32
    %dma_start3A_247 = tpu.memref_slice %arg5[%dma_start3A_246] : memref<512xi32, #tpu.memory_space<vmem>> -> memref<16xi32, #tpu.memory_space<vmem>>
    %dma_start3A_248 = arith.constant 0 : i32
    %dma_start3A_249 = arith.constant 0 : i32
    %dma_start3A_250 = tpu.memref_slice %arg2[%dma_start3A_248, %dma_start3A_249] : memref<100000x1024xf32, #tpu.memory_space<hbm>> -> memref<100000x1024xf32, #tpu.memory_space<hbm>>
    tpu.enqueue_indirect_dma source(%dma_start3A_250 : memref<100000x1024xf32, #tpu.memory_space<hbm>>) target(%arg10 : memref<16x1024xf32, #tpu.memory_space<vmem>>) offsets(%dma_start3A_247 : memref<16xi32, #tpu.memory_space<vmem>>) semaphore(%arg16 : memref<!tpu.dma_semaphore, #tpu.memory_space<semaphore_mem>>)
    %dma_wait3A_251 = arith.constant 176 : i32
    %dma_wait3A_252 = tpu.memref_slice %arg5[%dma_wait3A_251] : memref<512xi32, #tpu.memory_space<vmem>> -> memref<16xi32, #tpu.memory_space<vmem>>
    %dma_wait3A_253 = arith.constant 0 : i32
    %dma_wait3A_254 = arith.constant 0 : i32
    %dma_wait3A_255 = tpu.memref_slice %arg2[%dma_wait3A_253, %dma_wait3A_254] : memref<100000x1024xf32, #tpu.memory_space<hbm>> -> memref<100000x1024xf32, #tpu.memory_space<hbm>>
    tpu.wait_indirect_dma semaphore(%arg17 : memref<!tpu.dma_semaphore, #tpu.memory_space<semaphore_mem>>) src(%dma_wait3A_255 : memref<100000x1024xf32, #tpu.memory_space<hbm>>) dst(%arg11 : memref<16x1024xf32, #tpu.memory_space<vmem>>)
    %add3A_256 = arith.constant 176 : i32
    %add3A_257 = arith.addi %mul3A_2, %add3A_256 : i32
    %dma_start3A_258 = arith.constant 0 : i32
    %dma_start3A_259 = tpu.memref_slice %arg4[%add3A_257, %dma_start3A_258] : memref<16384x1024xf32, #tpu.memory_space<hbm>> -> memref<16x1024xf32, #tpu.memory_space<hbm>>
    %dma_start3A_260 = arith.constant 0 : i32
    %dma_start3A_261 = tpu.memref_slice %arg4[%add3A_257, %dma_start3A_260] : memref<16384x1024xf32, #tpu.memory_space<hbm>> -> memref<16x1024xf32, #tpu.memory_space<hbm>>
    tpu.enqueue_dma source(%arg11 : memref<16x1024xf32, #tpu.memory_space<vmem>>) target(%dma_start3A_261 : memref<16x1024xf32, #tpu.memory_space<hbm>>) target_semaphore(%arg23 : memref<!tpu.dma_semaphore, #tpu.memory_space<semaphore_mem>>)
    %dma_wait3A_262 = arith.constant 0 : i32
    %dma_wait3A_263 = tpu.memref_slice %arg4[%add3A_257, %dma_wait3A_262] : memref<16384x1024xf32, #tpu.memory_space<hbm>> -> memref<16x1024xf32, #tpu.memory_space<hbm>>
    %dma_wait3A_264 = arith.constant 0 : i32
    %dma_wait3A_265 = tpu.memref_slice %arg4[%add3A_257, %dma_wait3A_264] : memref<16384x1024xf32, #tpu.memory_space<hbm>> -> memref<16x1024xf32, #tpu.memory_space<hbm>>
    tpu.wait_dma2 semaphore(%arg23 : memref<!tpu.dma_semaphore, #tpu.memory_space<semaphore_mem>>) src(%arg11 : memref<16x1024xf32, #tpu.memory_space<vmem>>) dst(%dma_wait3A_265 : memref<16x1024xf32, #tpu.memory_space<hbm>>)
    %dma_start3A_266 = arith.constant 272 : i32
    %dma_start3A_267 = tpu.memref_slice %arg5[%dma_start3A_266] : memref<512xi32, #tpu.memory_space<vmem>> -> memref<16xi32, #tpu.memory_space<vmem>>
    %dma_start3A_268 = arith.constant 0 : i32
    %dma_start3A_269 = arith.constant 0 : i32
    %dma_start3A_270 = tpu.memref_slice %arg2[%dma_start3A_268, %dma_start3A_269] : memref<100000x1024xf32, #tpu.memory_space<hbm>> -> memref<100000x1024xf32, #tpu.memory_space<hbm>>
    tpu.enqueue_indirect_dma source(%dma_start3A_270 : memref<100000x1024xf32, #tpu.memory_space<hbm>>) target(%arg11 : memref<16x1024xf32, #tpu.memory_space<vmem>>) offsets(%dma_start3A_267 : memref<16xi32, #tpu.memory_space<vmem>>) semaphore(%arg17 : memref<!tpu.dma_semaphore, #tpu.memory_space<semaphore_mem>>)
    %dma_wait3A_271 = arith.constant 192 : i32
    %dma_wait3A_272 = tpu.memref_slice %arg5[%dma_wait3A_271] : memref<512xi32, #tpu.memory_space<vmem>> -> memref<16xi32, #tpu.memory_space<vmem>>
    %dma_wait3A_273 = arith.constant 0 : i32
    %dma_wait3A_274 = arith.constant 0 : i32
    %dma_wait3A_275 = tpu.memref_slice %arg2[%dma_wait3A_273, %dma_wait3A_274] : memref<100000x1024xf32, #tpu.memory_space<hbm>> -> memref<100000x1024xf32, #tpu.memory_space<hbm>>
    tpu.wait_indirect_dma semaphore(%arg12 : memref<!tpu.dma_semaphore, #tpu.memory_space<semaphore_mem>>) src(%dma_wait3A_275 : memref<100000x1024xf32, #tpu.memory_space<hbm>>) dst(%arg6 : memref<16x1024xf32, #tpu.memory_space<vmem>>)
    %add3A_276 = arith.constant 192 : i32
    %add3A_277 = arith.addi %mul3A_2, %add3A_276 : i32
    %dma_start3A_278 = arith.constant 0 : i32
    %dma_start3A_279 = tpu.memref_slice %arg4[%add3A_277, %dma_start3A_278] : memref<16384x1024xf32, #tpu.memory_space<hbm>> -> memref<16x1024xf32, #tpu.memory_space<hbm>>
    %dma_start3A_280 = arith.constant 0 : i32
    %dma_start3A_281 = tpu.memref_slice %arg4[%add3A_277, %dma_start3A_280] : memref<16384x1024xf32, #tpu.memory_space<hbm>> -> memref<16x1024xf32, #tpu.memory_space<hbm>>
    tpu.enqueue_dma source(%arg6 : memref<16x1024xf32, #tpu.memory_space<vmem>>) target(%dma_start3A_281 : memref<16x1024xf32, #tpu.memory_space<hbm>>) target_semaphore(%arg18 : memref<!tpu.dma_semaphore, #tpu.memory_space<semaphore_mem>>)
    %dma_wait3A_282 = arith.constant 0 : i32
    %dma_wait3A_283 = tpu.memref_slice %arg4[%add3A_277, %dma_wait3A_282] : memref<16384x1024xf32, #tpu.memory_space<hbm>> -> memref<16x1024xf32, #tpu.memory_space<hbm>>
    %dma_wait3A_284 = arith.constant 0 : i32
    %dma_wait3A_285 = tpu.memref_slice %arg4[%add3A_277, %dma_wait3A_284] : memref<16384x1024xf32, #tpu.memory_space<hbm>> -> memref<16x1024xf32, #tpu.memory_space<hbm>>
    tpu.wait_dma2 semaphore(%arg18 : memref<!tpu.dma_semaphore, #tpu.memory_space<semaphore_mem>>) src(%arg6 : memref<16x1024xf32, #tpu.memory_space<vmem>>) dst(%dma_wait3A_285 : memref<16x1024xf32, #tpu.memory_space<hbm>>)
    %dma_start3A_286 = arith.constant 288 : i32
    %dma_start3A_287 = tpu.memref_slice %arg5[%dma_start3A_286] : memref<512xi32, #tpu.memory_space<vmem>> -> memref<16xi32, #tpu.memory_space<vmem>>
    %dma_start3A_288 = arith.constant 0 : i32
    %dma_start3A_289 = arith.constant 0 : i32
    %dma_start3A_290 = tpu.memref_slice %arg2[%dma_start3A_288, %dma_start3A_289] : memref<100000x1024xf32, #tpu.memory_space<hbm>> -> memref<100000x1024xf32, #tpu.memory_space<hbm>>
    tpu.enqueue_indirect_dma source(%dma_start3A_290 : memref<100000x1024xf32, #tpu.memory_space<hbm>>) target(%arg6 : memref<16x1024xf32, #tpu.memory_space<vmem>>) offsets(%dma_start3A_287 : memref<16xi32, #tpu.memory_space<vmem>>) semaphore(%arg12 : memref<!tpu.dma_semaphore, #tpu.memory_space<semaphore_mem>>)
    %dma_wait3A_291 = arith.constant 208 : i32
    %dma_wait3A_292 = tpu.memref_slice %arg5[%dma_wait3A_291] : memref<512xi32, #tpu.memory_space<vmem>> -> memref<16xi32, #tpu.memory_space<vmem>>
    %dma_wait3A_293 = arith.constant 0 : i32
    %dma_wait3A_294 = arith.constant 0 : i32
    %dma_wait3A_295 = tpu.memref_slice %arg2[%dma_wait3A_293, %dma_wait3A_294] : memref<100000x1024xf32, #tpu.memory_space<hbm>> -> memref<100000x1024xf32, #tpu.memory_space<hbm>>
    tpu.wait_indirect_dma semaphore(%arg13 : memref<!tpu.dma_semaphore, #tpu.memory_space<semaphore_mem>>) src(%dma_wait3A_295 : memref<100000x1024xf32, #tpu.memory_space<hbm>>) dst(%arg7 : memref<16x1024xf32, #tpu.memory_space<vmem>>)
    %add3A_296 = arith.constant 208 : i32
    %add3A_297 = arith.addi %mul3A_2, %add3A_296 : i32
    %dma_start3A_298 = arith.constant 0 : i32
    %dma_start3A_299 = tpu.memref_slice %arg4[%add3A_297, %dma_start3A_298] : memref<16384x1024xf32, #tpu.memory_space<hbm>> -> memref<16x1024xf32, #tpu.memory_space<hbm>>
    %dma_start3A_300 = arith.constant 0 : i32
    %dma_start3A_301 = tpu.memref_slice %arg4[%add3A_297, %dma_start3A_300] : memref<16384x1024xf32, #tpu.memory_space<hbm>> -> memref<16x1024xf32, #tpu.memory_space<hbm>>
    tpu.enqueue_dma source(%arg7 : memref<16x1024xf32, #tpu.memory_space<vmem>>) target(%dma_start3A_301 : memref<16x1024xf32, #tpu.memory_space<hbm>>) target_semaphore(%arg19 : memref<!tpu.dma_semaphore, #tpu.memory_space<semaphore_mem>>)
    %dma_wait3A_302 = arith.constant 0 : i32
    %dma_wait3A_303 = tpu.memref_slice %arg4[%add3A_297, %dma_wait3A_302] : memref<16384x1024xf32, #tpu.memory_space<hbm>> -> memref<16x1024xf32, #tpu.memory_space<hbm>>
    %dma_wait3A_304 = arith.constant 0 : i32
    %dma_wait3A_305 = tpu.memref_slice %arg4[%add3A_297, %dma_wait3A_304] : memref<16384x1024xf32, #tpu.memory_space<hbm>> -> memref<16x1024xf32, #tpu.memory_space<hbm>>
    tpu.wait_dma2 semaphore(%arg19 : memref<!tpu.dma_semaphore, #tpu.memory_space<semaphore_mem>>) src(%arg7 : memref<16x1024xf32, #tpu.memory_space<vmem>>) dst(%dma_wait3A_305 : memref<16x1024xf32, #tpu.memory_space<hbm>>)
    %dma_start3A_306 = arith.constant 304 : i32
    %dma_start3A_307 = tpu.memref_slice %arg5[%dma_start3A_306] : memref<512xi32, #tpu.memory_space<vmem>> -> memref<16xi32, #tpu.memory_space<vmem>>
    %dma_start3A_308 = arith.constant 0 : i32
    %dma_start3A_309 = arith.constant 0 : i32
    %dma_start3A_310 = tpu.memref_slice %arg2[%dma_start3A_308, %dma_start3A_309] : memref<100000x1024xf32, #tpu.memory_space<hbm>> -> memref<100000x1024xf32, #tpu.memory_space<hbm>>
    tpu.enqueue_indirect_dma source(%dma_start3A_310 : memref<100000x1024xf32, #tpu.memory_space<hbm>>) target(%arg7 : memref<16x1024xf32, #tpu.memory_space<vmem>>) offsets(%dma_start3A_307 : memref<16xi32, #tpu.memory_space<vmem>>) semaphore(%arg13 : memref<!tpu.dma_semaphore, #tpu.memory_space<semaphore_mem>>)
    %dma_wait3A_311 = arith.constant 224 : i32
    %dma_wait3A_312 = tpu.memref_slice %arg5[%dma_wait3A_311] : memref<512xi32, #tpu.memory_space<vmem>> -> memref<16xi32, #tpu.memory_space<vmem>>
    %dma_wait3A_313 = arith.constant 0 : i32
    %dma_wait3A_314 = arith.constant 0 : i32
    %dma_wait3A_315 = tpu.memref_slice %arg2[%dma_wait3A_313, %dma_wait3A_314] : memref<100000x1024xf32, #tpu.memory_space<hbm>> -> memref<100000x1024xf32, #tpu.memory_space<hbm>>
    tpu.wait_indirect_dma semaphore(%arg14 : memref<!tpu.dma_semaphore, #tpu.memory_space<semaphore_mem>>) src(%dma_wait3A_315 : memref<100000x1024xf32, #tpu.memory_space<hbm>>) dst(%arg8 : memref<16x1024xf32, #tpu.memory_space<vmem>>)
    %add3A_316 = arith.constant 224 : i32
    %add3A_317 = arith.addi %mul3A_2, %add3A_316 : i32
    %dma_start3A_318 = arith.constant 0 : i32
    %dma_start3A_319 = tpu.memref_slice %arg4[%add3A_317, %dma_start3A_318] : memref<16384x1024xf32, #tpu.memory_space<hbm>> -> memref<16x1024xf32, #tpu.memory_space<hbm>>
    %dma_start3A_320 = arith.constant 0 : i32
    %dma_start3A_321 = tpu.memref_slice %arg4[%add3A_317, %dma_start3A_320] : memref<16384x1024xf32, #tpu.memory_space<hbm>> -> memref<16x1024xf32, #tpu.memory_space<hbm>>
    tpu.enqueue_dma source(%arg8 : memref<16x1024xf32, #tpu.memory_space<vmem>>) target(%dma_start3A_321 : memref<16x1024xf32, #tpu.memory_space<hbm>>) target_semaphore(%arg20 : memref<!tpu.dma_semaphore, #tpu.memory_space<semaphore_mem>>)
    %dma_wait3A_322 = arith.constant 0 : i32
    %dma_wait3A_323 = tpu.memref_slice %arg4[%add3A_317, %dma_wait3A_322] : memref<16384x1024xf32, #tpu.memory_space<hbm>> -> memref<16x1024xf32, #tpu.memory_space<hbm>>
    %dma_wait3A_324 = arith.constant 0 : i32
    %dma_wait3A_325 = tpu.memref_slice %arg4[%add3A_317, %dma_wait3A_324] : memref<16384x1024xf32, #tpu.memory_space<hbm>> -> memref<16x1024xf32, #tpu.memory_space<hbm>>
    tpu.wait_dma2 semaphore(%arg20 : memref<!tpu.dma_semaphore, #tpu.memory_space<semaphore_mem>>) src(%arg8 : memref<16x1024xf32, #tpu.memory_space<vmem>>) dst(%dma_wait3A_325 : memref<16x1024xf32, #tpu.memory_space<hbm>>)
    %dma_start3A_326 = arith.constant 320 : i32
    %dma_start3A_327 = tpu.memref_slice %arg5[%dma_start3A_326] : memref<512xi32, #tpu.memory_space<vmem>> -> memref<16xi32, #tpu.memory_space<vmem>>
    %dma_start3A_328 = arith.constant 0 : i32
    %dma_start3A_329 = arith.constant 0 : i32
    %dma_start3A_330 = tpu.memref_slice %arg2[%dma_start3A_328, %dma_start3A_329] : memref<100000x1024xf32, #tpu.memory_space<hbm>> -> memref<100000x1024xf32, #tpu.memory_space<hbm>>
    tpu.enqueue_indirect_dma source(%dma_start3A_330 : memref<100000x1024xf32, #tpu.memory_space<hbm>>) target(%arg8 : memref<16x1024xf32, #tpu.memory_space<vmem>>) offsets(%dma_start3A_327 : memref<16xi32, #tpu.memory_space<vmem>>) semaphore(%arg14 : memref<!tpu.dma_semaphore, #tpu.memory_space<semaphore_mem>>)
    %dma_wait3A_331 = arith.constant 240 : i32
    %dma_wait3A_332 = tpu.memref_slice %arg5[%dma_wait3A_331] : memref<512xi32, #tpu.memory_space<vmem>> -> memref<16xi32, #tpu.memory_space<vmem>>
    %dma_wait3A_333 = arith.constant 0 : i32
    %dma_wait3A_334 = arith.constant 0 : i32
    %dma_wait3A_335 = tpu.memref_slice %arg2[%dma_wait3A_333, %dma_wait3A_334] : memref<100000x1024xf32, #tpu.memory_space<hbm>> -> memref<100000x1024xf32, #tpu.memory_space<hbm>>
    tpu.wait_indirect_dma semaphore(%arg15 : memref<!tpu.dma_semaphore, #tpu.memory_space<semaphore_mem>>) src(%dma_wait3A_335 : memref<100000x1024xf32, #tpu.memory_space<hbm>>) dst(%arg9 : memref<16x1024xf32, #tpu.memory_space<vmem>>)
    %add3A_336 = arith.constant 240 : i32
    %add3A_337 = arith.addi %mul3A_2, %add3A_336 : i32
    %dma_start3A_338 = arith.constant 0 : i32
    %dma_start3A_339 = tpu.memref_slice %arg4[%add3A_337, %dma_start3A_338] : memref<16384x1024xf32, #tpu.memory_space<hbm>> -> memref<16x1024xf32, #tpu.memory_space<hbm>>
    %dma_start3A_340 = arith.constant 0 : i32
    %dma_start3A_341 = tpu.memref_slice %arg4[%add3A_337, %dma_start3A_340] : memref<16384x1024xf32, #tpu.memory_space<hbm>> -> memref<16x1024xf32, #tpu.memory_space<hbm>>
    tpu.enqueue_dma source(%arg9 : memref<16x1024xf32, #tpu.memory_space<vmem>>) target(%dma_start3A_341 : memref<16x1024xf32, #tpu.memory_space<hbm>>) target_semaphore(%arg21 : memref<!tpu.dma_semaphore, #tpu.memory_space<semaphore_mem>>)
    %dma_wait3A_342 = arith.constant 0 : i32
    %dma_wait3A_343 = tpu.memref_slice %arg4[%add3A_337, %dma_wait3A_342] : memref<16384x1024xf32, #tpu.memory_space<hbm>> -> memref<16x1024xf32, #tpu.memory_space<hbm>>
    %dma_wait3A_344 = arith.constant 0 : i32
    %dma_wait3A_345 = tpu.memref_slice %arg4[%add3A_337, %dma_wait3A_344] : memref<16384x1024xf32, #tpu.memory_space<hbm>> -> memref<16x1024xf32, #tpu.memory_space<hbm>>
    tpu.wait_dma2 semaphore(%arg21 : memref<!tpu.dma_semaphore, #tpu.memory_space<semaphore_mem>>) src(%arg9 : memref<16x1024xf32, #tpu.memory_space<vmem>>) dst(%dma_wait3A_345 : memref<16x1024xf32, #tpu.memory_space<hbm>>)
    %dma_start3A_346 = arith.constant 336 : i32
    %dma_start3A_347 = tpu.memref_slice %arg5[%dma_start3A_346] : memref<512xi32, #tpu.memory_space<vmem>> -> memref<16xi32, #tpu.memory_space<vmem>>
    %dma_start3A_348 = arith.constant 0 : i32
    %dma_start3A_349 = arith.constant 0 : i32
    %dma_start3A_350 = tpu.memref_slice %arg2[%dma_start3A_348, %dma_start3A_349] : memref<100000x1024xf32, #tpu.memory_space<hbm>> -> memref<100000x1024xf32, #tpu.memory_space<hbm>>
    tpu.enqueue_indirect_dma source(%dma_start3A_350 : memref<100000x1024xf32, #tpu.memory_space<hbm>>) target(%arg9 : memref<16x1024xf32, #tpu.memory_space<vmem>>) offsets(%dma_start3A_347 : memref<16xi32, #tpu.memory_space<vmem>>) semaphore(%arg15 : memref<!tpu.dma_semaphore, #tpu.memory_space<semaphore_mem>>)
    %dma_wait3A_351 = arith.constant 256 : i32
    %dma_wait3A_352 = tpu.memref_slice %arg5[%dma_wait3A_351] : memref<512xi32, #tpu.memory_space<vmem>> -> memref<16xi32, #tpu.memory_space<vmem>>
    %dma_wait3A_353 = arith.constant 0 : i32
    %dma_wait3A_354 = arith.constant 0 : i32
    %dma_wait3A_355 = tpu.memref_slice %arg2[%dma_wait3A_353, %dma_wait3A_354] : memref<100000x1024xf32, #tpu.memory_space<hbm>> -> memref<100000x1024xf32, #tpu.memory_space<hbm>>
    tpu.wait_indirect_dma semaphore(%arg16 : memref<!tpu.dma_semaphore, #tpu.memory_space<semaphore_mem>>) src(%dma_wait3A_355 : memref<100000x1024xf32, #tpu.memory_space<hbm>>) dst(%arg10 : memref<16x1024xf32, #tpu.memory_space<vmem>>)
    %add3A_356 = arith.constant 256 : i32
    %add3A_357 = arith.addi %mul3A_2, %add3A_356 : i32
    %dma_start3A_358 = arith.constant 0 : i32
    %dma_start3A_359 = tpu.memref_slice %arg4[%add3A_357, %dma_start3A_358] : memref<16384x1024xf32, #tpu.memory_space<hbm>> -> memref<16x1024xf32, #tpu.memory_space<hbm>>
    %dma_start3A_360 = arith.constant 0 : i32
    %dma_start3A_361 = tpu.memref_slice %arg4[%add3A_357, %dma_start3A_360] : memref<16384x1024xf32, #tpu.memory_space<hbm>> -> memref<16x1024xf32, #tpu.memory_space<hbm>>
    tpu.enqueue_dma source(%arg10 : memref<16x1024xf32, #tpu.memory_space<vmem>>) target(%dma_start3A_361 : memref<16x1024xf32, #tpu.memory_space<hbm>>) target_semaphore(%arg22 : memref<!tpu.dma_semaphore, #tpu.memory_space<semaphore_mem>>)
    %dma_wait3A_362 = arith.constant 0 : i32
    %dma_wait3A_363 = tpu.memref_slice %arg4[%add3A_357, %dma_wait3A_362] : memref<16384x1024xf32, #tpu.memory_space<hbm>> -> memref<16x1024xf32, #tpu.memory_space<hbm>>
    %dma_wait3A_364 = arith.constant 0 : i32
    %dma_wait3A_365 = tpu.memref_slice %arg4[%add3A_357, %dma_wait3A_364] : memref<16384x1024xf32, #tpu.memory_space<hbm>> -> memref<16x1024xf32, #tpu.memory_space<hbm>>
    tpu.wait_dma2 semaphore(%arg22 : memref<!tpu.dma_semaphore, #tpu.memory_space<semaphore_mem>>) src(%arg10 : memref<16x1024xf32, #tpu.memory_space<vmem>>) dst(%dma_wait3A_365 : memref<16x1024xf32, #tpu.memory_space<hbm>>)
    %dma_start3A_366 = arith.constant 352 : i32
    %dma_start3A_367 = tpu.memref_slice %arg5[%dma_start3A_366] : memref<512xi32, #tpu.memory_space<vmem>> -> memref<16xi32, #tpu.memory_space<vmem>>
    %dma_start3A_368 = arith.constant 0 : i32
    %dma_start3A_369 = arith.constant 0 : i32
    %dma_start3A_370 = tpu.memref_slice %arg2[%dma_start3A_368, %dma_start3A_369] : memref<100000x1024xf32, #tpu.memory_space<hbm>> -> memref<100000x1024xf32, #tpu.memory_space<hbm>>
    tpu.enqueue_indirect_dma source(%dma_start3A_370 : memref<100000x1024xf32, #tpu.memory_space<hbm>>) target(%arg10 : memref<16x1024xf32, #tpu.memory_space<vmem>>) offsets(%dma_start3A_367 : memref<16xi32, #tpu.memory_space<vmem>>) semaphore(%arg16 : memref<!tpu.dma_semaphore, #tpu.memory_space<semaphore_mem>>)
    %dma_wait3A_371 = arith.constant 272 : i32
    %dma_wait3A_372 = tpu.memref_slice %arg5[%dma_wait3A_371] : memref<512xi32, #tpu.memory_space<vmem>> -> memref<16xi32, #tpu.memory_space<vmem>>
    %dma_wait3A_373 = arith.constant 0 : i32
    %dma_wait3A_374 = arith.constant 0 : i32
    %dma_wait3A_375 = tpu.memref_slice %arg2[%dma_wait3A_373, %dma_wait3A_374] : memref<100000x1024xf32, #tpu.memory_space<hbm>> -> memref<100000x1024xf32, #tpu.memory_space<hbm>>
    tpu.wait_indirect_dma semaphore(%arg17 : memref<!tpu.dma_semaphore, #tpu.memory_space<semaphore_mem>>) src(%dma_wait3A_375 : memref<100000x1024xf32, #tpu.memory_space<hbm>>) dst(%arg11 : memref<16x1024xf32, #tpu.memory_space<vmem>>)
    %add3A_376 = arith.constant 272 : i32
    %add3A_377 = arith.addi %mul3A_2, %add3A_376 : i32
    %dma_start3A_378 = arith.constant 0 : i32
    %dma_start3A_379 = tpu.memref_slice %arg4[%add3A_377, %dma_start3A_378] : memref<16384x1024xf32, #tpu.memory_space<hbm>> -> memref<16x1024xf32, #tpu.memory_space<hbm>>
    %dma_start3A_380 = arith.constant 0 : i32
    %dma_start3A_381 = tpu.memref_slice %arg4[%add3A_377, %dma_start3A_380] : memref<16384x1024xf32, #tpu.memory_space<hbm>> -> memref<16x1024xf32, #tpu.memory_space<hbm>>
    tpu.enqueue_dma source(%arg11 : memref<16x1024xf32, #tpu.memory_space<vmem>>) target(%dma_start3A_381 : memref<16x1024xf32, #tpu.memory_space<hbm>>) target_semaphore(%arg23 : memref<!tpu.dma_semaphore, #tpu.memory_space<semaphore_mem>>)
    %dma_wait3A_382 = arith.constant 0 : i32
    %dma_wait3A_383 = tpu.memref_slice %arg4[%add3A_377, %dma_wait3A_382] : memref<16384x1024xf32, #tpu.memory_space<hbm>> -> memref<16x1024xf32, #tpu.memory_space<hbm>>
    %dma_wait3A_384 = arith.constant 0 : i32
    %dma_wait3A_385 = tpu.memref_slice %arg4[%add3A_377, %dma_wait3A_384] : memref<16384x1024xf32, #tpu.memory_space<hbm>> -> memref<16x1024xf32, #tpu.memory_space<hbm>>
    tpu.wait_dma2 semaphore(%arg23 : memref<!tpu.dma_semaphore, #tpu.memory_space<semaphore_mem>>) src(%arg11 : memref<16x1024xf32, #tpu.memory_space<vmem>>) dst(%dma_wait3A_385 : memref<16x1024xf32, #tpu.memory_space<hbm>>)
    %dma_start3A_386 = arith.constant 368 : i32
    %dma_start3A_387 = tpu.memref_slice %arg5[%dma_start3A_386] : memref<512xi32, #tpu.memory_space<vmem>> -> memref<16xi32, #tpu.memory_space<vmem>>
    %dma_start3A_388 = arith.constant 0 : i32
    %dma_start3A_389 = arith.constant 0 : i32
    %dma_start3A_390 = tpu.memref_slice %arg2[%dma_start3A_388, %dma_start3A_389] : memref<100000x1024xf32, #tpu.memory_space<hbm>> -> memref<100000x1024xf32, #tpu.memory_space<hbm>>
    tpu.enqueue_indirect_dma source(%dma_start3A_390 : memref<100000x1024xf32, #tpu.memory_space<hbm>>) target(%arg11 : memref<16x1024xf32, #tpu.memory_space<vmem>>) offsets(%dma_start3A_387 : memref<16xi32, #tpu.memory_space<vmem>>) semaphore(%arg17 : memref<!tpu.dma_semaphore, #tpu.memory_space<semaphore_mem>>)
    %dma_wait3A_391 = arith.constant 288 : i32
    %dma_wait3A_392 = tpu.memref_slice %arg5[%dma_wait3A_391] : memref<512xi32, #tpu.memory_space<vmem>> -> memref<16xi32, #tpu.memory_space<vmem>>
    %dma_wait3A_393 = arith.constant 0 : i32
    %dma_wait3A_394 = arith.constant 0 : i32
    %dma_wait3A_395 = tpu.memref_slice %arg2[%dma_wait3A_393, %dma_wait3A_394] : memref<100000x1024xf32, #tpu.memory_space<hbm>> -> memref<100000x1024xf32, #tpu.memory_space<hbm>>
    tpu.wait_indirect_dma semaphore(%arg12 : memref<!tpu.dma_semaphore, #tpu.memory_space<semaphore_mem>>) src(%dma_wait3A_395 : memref<100000x1024xf32, #tpu.memory_space<hbm>>) dst(%arg6 : memref<16x1024xf32, #tpu.memory_space<vmem>>)
    %add3A_396 = arith.constant 288 : i32
    %add3A_397 = arith.addi %mul3A_2, %add3A_396 : i32
    %dma_start3A_398 = arith.constant 0 : i32
    %dma_start3A_399 = tpu.memref_slice %arg4[%add3A_397, %dma_start3A_398] : memref<16384x1024xf32, #tpu.memory_space<hbm>> -> memref<16x1024xf32, #tpu.memory_space<hbm>>
    %dma_start3A_400 = arith.constant 0 : i32
    %dma_start3A_401 = tpu.memref_slice %arg4[%add3A_397, %dma_start3A_400] : memref<16384x1024xf32, #tpu.memory_space<hbm>> -> memref<16x1024xf32, #tpu.memory_space<hbm>>
    tpu.enqueue_dma source(%arg6 : memref<16x1024xf32, #tpu.memory_space<vmem>>) target(%dma_start3A_401 : memref<16x1024xf32, #tpu.memory_space<hbm>>) target_semaphore(%arg18 : memref<!tpu.dma_semaphore, #tpu.memory_space<semaphore_mem>>)
    %dma_wait3A_402 = arith.constant 0 : i32
    %dma_wait3A_403 = tpu.memref_slice %arg4[%add3A_397, %dma_wait3A_402] : memref<16384x1024xf32, #tpu.memory_space<hbm>> -> memref<16x1024xf32, #tpu.memory_space<hbm>>
    %dma_wait3A_404 = arith.constant 0 : i32
    %dma_wait3A_405 = tpu.memref_slice %arg4[%add3A_397, %dma_wait3A_404] : memref<16384x1024xf32, #tpu.memory_space<hbm>> -> memref<16x1024xf32, #tpu.memory_space<hbm>>
    tpu.wait_dma2 semaphore(%arg18 : memref<!tpu.dma_semaphore, #tpu.memory_space<semaphore_mem>>) src(%arg6 : memref<16x1024xf32, #tpu.memory_space<vmem>>) dst(%dma_wait3A_405 : memref<16x1024xf32, #tpu.memory_space<hbm>>)
    %dma_start3A_406 = arith.constant 384 : i32
    %dma_start3A_407 = tpu.memref_slice %arg5[%dma_start3A_406] : memref<512xi32, #tpu.memory_space<vmem>> -> memref<16xi32, #tpu.memory_space<vmem>>
    %dma_start3A_408 = arith.constant 0 : i32
    %dma_start3A_409 = arith.constant 0 : i32
    %dma_start3A_410 = tpu.memref_slice %arg2[%dma_start3A_408, %dma_start3A_409] : memref<100000x1024xf32, #tpu.memory_space<hbm>> -> memref<100000x1024xf32, #tpu.memory_space<hbm>>
    tpu.enqueue_indirect_dma source(%dma_start3A_410 : memref<100000x1024xf32, #tpu.memory_space<hbm>>) target(%arg6 : memref<16x1024xf32, #tpu.memory_space<vmem>>) offsets(%dma_start3A_407 : memref<16xi32, #tpu.memory_space<vmem>>) semaphore(%arg12 : memref<!tpu.dma_semaphore, #tpu.memory_space<semaphore_mem>>)
    %dma_wait3A_411 = arith.constant 304 : i32
    %dma_wait3A_412 = tpu.memref_slice %arg5[%dma_wait3A_411] : memref<512xi32, #tpu.memory_space<vmem>> -> memref<16xi32, #tpu.memory_space<vmem>>
    %dma_wait3A_413 = arith.constant 0 : i32
    %dma_wait3A_414 = arith.constant 0 : i32
    %dma_wait3A_415 = tpu.memref_slice %arg2[%dma_wait3A_413, %dma_wait3A_414] : memref<100000x1024xf32, #tpu.memory_space<hbm>> -> memref<100000x1024xf32, #tpu.memory_space<hbm>>
    tpu.wait_indirect_dma semaphore(%arg13 : memref<!tpu.dma_semaphore, #tpu.memory_space<semaphore_mem>>) src(%dma_wait3A_415 : memref<100000x1024xf32, #tpu.memory_space<hbm>>) dst(%arg7 : memref<16x1024xf32, #tpu.memory_space<vmem>>)
    %add3A_416 = arith.constant 304 : i32
    %add3A_417 = arith.addi %mul3A_2, %add3A_416 : i32
    %dma_start3A_418 = arith.constant 0 : i32
    %dma_start3A_419 = tpu.memref_slice %arg4[%add3A_417, %dma_start3A_418] : memref<16384x1024xf32, #tpu.memory_space<hbm>> -> memref<16x1024xf32, #tpu.memory_space<hbm>>
    %dma_start3A_420 = arith.constant 0 : i32
    %dma_start3A_421 = tpu.memref_slice %arg4[%add3A_417, %dma_start3A_420] : memref<16384x1024xf32, #tpu.memory_space<hbm>> -> memref<16x1024xf32, #tpu.memory_space<hbm>>
    tpu.enqueue_dma source(%arg7 : memref<16x1024xf32, #tpu.memory_space<vmem>>) target(%dma_start3A_421 : memref<16x1024xf32, #tpu.memory_space<hbm>>) target_semaphore(%arg19 : memref<!tpu.dma_semaphore, #tpu.memory_space<semaphore_mem>>)
    %dma_wait3A_422 = arith.constant 0 : i32
    %dma_wait3A_423 = tpu.memref_slice %arg4[%add3A_417, %dma_wait3A_422] : memref<16384x1024xf32, #tpu.memory_space<hbm>> -> memref<16x1024xf32, #tpu.memory_space<hbm>>
    %dma_wait3A_424 = arith.constant 0 : i32
    %dma_wait3A_425 = tpu.memref_slice %arg4[%add3A_417, %dma_wait3A_424] : memref<16384x1024xf32, #tpu.memory_space<hbm>> -> memref<16x1024xf32, #tpu.memory_space<hbm>>
    tpu.wait_dma2 semaphore(%arg19 : memref<!tpu.dma_semaphore, #tpu.memory_space<semaphore_mem>>) src(%arg7 : memref<16x1024xf32, #tpu.memory_space<vmem>>) dst(%dma_wait3A_425 : memref<16x1024xf32, #tpu.memory_space<hbm>>)
    %dma_start3A_426 = arith.constant 400 : i32
    %dma_start3A_427 = tpu.memref_slice %arg5[%dma_start3A_426] : memref<512xi32, #tpu.memory_space<vmem>> -> memref<16xi32, #tpu.memory_space<vmem>>
    %dma_start3A_428 = arith.constant 0 : i32
    %dma_start3A_429 = arith.constant 0 : i32
    %dma_start3A_430 = tpu.memref_slice %arg2[%dma_start3A_428, %dma_start3A_429] : memref<100000x1024xf32, #tpu.memory_space<hbm>> -> memref<100000x1024xf32, #tpu.memory_space<hbm>>
    tpu.enqueue_indirect_dma source(%dma_start3A_430 : memref<100000x1024xf32, #tpu.memory_space<hbm>>) target(%arg7 : memref<16x1024xf32, #tpu.memory_space<vmem>>) offsets(%dma_start3A_427 : memref<16xi32, #tpu.memory_space<vmem>>) semaphore(%arg13 : memref<!tpu.dma_semaphore, #tpu.memory_space<semaphore_mem>>)
    %dma_wait3A_431 = arith.constant 320 : i32
    %dma_wait3A_432 = tpu.memref_slice %arg5[%dma_wait3A_431] : memref<512xi32, #tpu.memory_space<vmem>> -> memref<16xi32, #tpu.memory_space<vmem>>
    %dma_wait3A_433 = arith.constant 0 : i32
    %dma_wait3A_434 = arith.constant 0 : i32
    %dma_wait3A_435 = tpu.memref_slice %arg2[%dma_wait3A_433, %dma_wait3A_434] : memref<100000x1024xf32, #tpu.memory_space<hbm>> -> memref<100000x1024xf32, #tpu.memory_space<hbm>>
    tpu.wait_indirect_dma semaphore(%arg14 : memref<!tpu.dma_semaphore, #tpu.memory_space<semaphore_mem>>) src(%dma_wait3A_435 : memref<100000x1024xf32, #tpu.memory_space<hbm>>) dst(%arg8 : memref<16x1024xf32, #tpu.memory_space<vmem>>)
    %add3A_436 = arith.constant 320 : i32
    %add3A_437 = arith.addi %mul3A_2, %add3A_436 : i32
    %dma_start3A_438 = arith.constant 0 : i32
    %dma_start3A_439 = tpu.memref_slice %arg4[%add3A_437, %dma_start3A_438] : memref<16384x1024xf32, #tpu.memory_space<hbm>> -> memref<16x1024xf32, #tpu.memory_space<hbm>>
    %dma_start3A_440 = arith.constant 0 : i32
    %dma_start3A_441 = tpu.memref_slice %arg4[%add3A_437, %dma_start3A_440] : memref<16384x1024xf32, #tpu.memory_space<hbm>> -> memref<16x1024xf32, #tpu.memory_space<hbm>>
    tpu.enqueue_dma source(%arg8 : memref<16x1024xf32, #tpu.memory_space<vmem>>) target(%dma_start3A_441 : memref<16x1024xf32, #tpu.memory_space<hbm>>) target_semaphore(%arg20 : memref<!tpu.dma_semaphore, #tpu.memory_space<semaphore_mem>>)
    %dma_wait3A_442 = arith.constant 0 : i32
    %dma_wait3A_443 = tpu.memref_slice %arg4[%add3A_437, %dma_wait3A_442] : memref<16384x1024xf32, #tpu.memory_space<hbm>> -> memref<16x1024xf32, #tpu.memory_space<hbm>>
    %dma_wait3A_444 = arith.constant 0 : i32
    %dma_wait3A_445 = tpu.memref_slice %arg4[%add3A_437, %dma_wait3A_444] : memref<16384x1024xf32, #tpu.memory_space<hbm>> -> memref<16x1024xf32, #tpu.memory_space<hbm>>
    tpu.wait_dma2 semaphore(%arg20 : memref<!tpu.dma_semaphore, #tpu.memory_space<semaphore_mem>>) src(%arg8 : memref<16x1024xf32, #tpu.memory_space<vmem>>) dst(%dma_wait3A_445 : memref<16x1024xf32, #tpu.memory_space<hbm>>)
    %dma_start3A_446 = arith.constant 416 : i32
    %dma_start3A_447 = tpu.memref_slice %arg5[%dma_start3A_446] : memref<512xi32, #tpu.memory_space<vmem>> -> memref<16xi32, #tpu.memory_space<vmem>>
    %dma_start3A_448 = arith.constant 0 : i32
    %dma_start3A_449 = arith.constant 0 : i32
    %dma_start3A_450 = tpu.memref_slice %arg2[%dma_start3A_448, %dma_start3A_449] : memref<100000x1024xf32, #tpu.memory_space<hbm>> -> memref<100000x1024xf32, #tpu.memory_space<hbm>>
    tpu.enqueue_indirect_dma source(%dma_start3A_450 : memref<100000x1024xf32, #tpu.memory_space<hbm>>) target(%arg8 : memref<16x1024xf32, #tpu.memory_space<vmem>>) offsets(%dma_start3A_447 : memref<16xi32, #tpu.memory_space<vmem>>) semaphore(%arg14 : memref<!tpu.dma_semaphore, #tpu.memory_space<semaphore_mem>>)
    %dma_wait3A_451 = arith.constant 336 : i32
    %dma_wait3A_452 = tpu.memref_slice %arg5[%dma_wait3A_451] : memref<512xi32, #tpu.memory_space<vmem>> -> memref<16xi32, #tpu.memory_space<vmem>>
    %dma_wait3A_453 = arith.constant 0 : i32
    %dma_wait3A_454 = arith.constant 0 : i32
    %dma_wait3A_455 = tpu.memref_slice %arg2[%dma_wait3A_453, %dma_wait3A_454] : memref<100000x1024xf32, #tpu.memory_space<hbm>> -> memref<100000x1024xf32, #tpu.memory_space<hbm>>
    tpu.wait_indirect_dma semaphore(%arg15 : memref<!tpu.dma_semaphore, #tpu.memory_space<semaphore_mem>>) src(%dma_wait3A_455 : memref<100000x1024xf32, #tpu.memory_space<hbm>>) dst(%arg9 : memref<16x1024xf32, #tpu.memory_space<vmem>>)
    %add3A_456 = arith.constant 336 : i32
    %add3A_457 = arith.addi %mul3A_2, %add3A_456 : i32
    %dma_start3A_458 = arith.constant 0 : i32
    %dma_start3A_459 = tpu.memref_slice %arg4[%add3A_457, %dma_start3A_458] : memref<16384x1024xf32, #tpu.memory_space<hbm>> -> memref<16x1024xf32, #tpu.memory_space<hbm>>
    %dma_start3A_460 = arith.constant 0 : i32
    %dma_start3A_461 = tpu.memref_slice %arg4[%add3A_457, %dma_start3A_460] : memref<16384x1024xf32, #tpu.memory_space<hbm>> -> memref<16x1024xf32, #tpu.memory_space<hbm>>
    tpu.enqueue_dma source(%arg9 : memref<16x1024xf32, #tpu.memory_space<vmem>>) target(%dma_start3A_461 : memref<16x1024xf32, #tpu.memory_space<hbm>>) target_semaphore(%arg21 : memref<!tpu.dma_semaphore, #tpu.memory_space<semaphore_mem>>)
    %dma_wait3A_462 = arith.constant 0 : i32
    %dma_wait3A_463 = tpu.memref_slice %arg4[%add3A_457, %dma_wait3A_462] : memref<16384x1024xf32, #tpu.memory_space<hbm>> -> memref<16x1024xf32, #tpu.memory_space<hbm>>
    %dma_wait3A_464 = arith.constant 0 : i32
    %dma_wait3A_465 = tpu.memref_slice %arg4[%add3A_457, %dma_wait3A_464] : memref<16384x1024xf32, #tpu.memory_space<hbm>> -> memref<16x1024xf32, #tpu.memory_space<hbm>>
    tpu.wait_dma2 semaphore(%arg21 : memref<!tpu.dma_semaphore, #tpu.memory_space<semaphore_mem>>) src(%arg9 : memref<16x1024xf32, #tpu.memory_space<vmem>>) dst(%dma_wait3A_465 : memref<16x1024xf32, #tpu.memory_space<hbm>>)
    %dma_start3A_466 = arith.constant 432 : i32
    %dma_start3A_467 = tpu.memref_slice %arg5[%dma_start3A_466] : memref<512xi32, #tpu.memory_space<vmem>> -> memref<16xi32, #tpu.memory_space<vmem>>
    %dma_start3A_468 = arith.constant 0 : i32
    %dma_start3A_469 = arith.constant 0 : i32
    %dma_start3A_470 = tpu.memref_slice %arg2[%dma_start3A_468, %dma_start3A_469] : memref<100000x1024xf32, #tpu.memory_space<hbm>> -> memref<100000x1024xf32, #tpu.memory_space<hbm>>
    tpu.enqueue_indirect_dma source(%dma_start3A_470 : memref<100000x1024xf32, #tpu.memory_space<hbm>>) target(%arg9 : memref<16x1024xf32, #tpu.memory_space<vmem>>) offsets(%dma_start3A_467 : memref<16xi32, #tpu.memory_space<vmem>>) semaphore(%arg15 : memref<!tpu.dma_semaphore, #tpu.memory_space<semaphore_mem>>)
    %dma_wait3A_471 = arith.constant 352 : i32
    %dma_wait3A_472 = tpu.memref_slice %arg5[%dma_wait3A_471] : memref<512xi32, #tpu.memory_space<vmem>> -> memref<16xi32, #tpu.memory_space<vmem>>
    %dma_wait3A_473 = arith.constant 0 : i32
    %dma_wait3A_474 = arith.constant 0 : i32
    %dma_wait3A_475 = tpu.memref_slice %arg2[%dma_wait3A_473, %dma_wait3A_474] : memref<100000x1024xf32, #tpu.memory_space<hbm>> -> memref<100000x1024xf32, #tpu.memory_space<hbm>>
    tpu.wait_indirect_dma semaphore(%arg16 : memref<!tpu.dma_semaphore, #tpu.memory_space<semaphore_mem>>) src(%dma_wait3A_475 : memref<100000x1024xf32, #tpu.memory_space<hbm>>) dst(%arg10 : memref<16x1024xf32, #tpu.memory_space<vmem>>)
    %add3A_476 = arith.constant 352 : i32
    %add3A_477 = arith.addi %mul3A_2, %add3A_476 : i32
    %dma_start3A_478 = arith.constant 0 : i32
    %dma_start3A_479 = tpu.memref_slice %arg4[%add3A_477, %dma_start3A_478] : memref<16384x1024xf32, #tpu.memory_space<hbm>> -> memref<16x1024xf32, #tpu.memory_space<hbm>>
    %dma_start3A_480 = arith.constant 0 : i32
    %dma_start3A_481 = tpu.memref_slice %arg4[%add3A_477, %dma_start3A_480] : memref<16384x1024xf32, #tpu.memory_space<hbm>> -> memref<16x1024xf32, #tpu.memory_space<hbm>>
    tpu.enqueue_dma source(%arg10 : memref<16x1024xf32, #tpu.memory_space<vmem>>) target(%dma_start3A_481 : memref<16x1024xf32, #tpu.memory_space<hbm>>) target_semaphore(%arg22 : memref<!tpu.dma_semaphore, #tpu.memory_space<semaphore_mem>>)
    %dma_wait3A_482 = arith.constant 0 : i32
    %dma_wait3A_483 = tpu.memref_slice %arg4[%add3A_477, %dma_wait3A_482] : memref<16384x1024xf32, #tpu.memory_space<hbm>> -> memref<16x1024xf32, #tpu.memory_space<hbm>>
    %dma_wait3A_484 = arith.constant 0 : i32
    %dma_wait3A_485 = tpu.memref_slice %arg4[%add3A_477, %dma_wait3A_484] : memref<16384x1024xf32, #tpu.memory_space<hbm>> -> memref<16x1024xf32, #tpu.memory_space<hbm>>
    tpu.wait_dma2 semaphore(%arg22 : memref<!tpu.dma_semaphore, #tpu.memory_space<semaphore_mem>>) src(%arg10 : memref<16x1024xf32, #tpu.memory_space<vmem>>) dst(%dma_wait3A_485 : memref<16x1024xf32, #tpu.memory_space<hbm>>)
    %dma_start3A_486 = arith.constant 448 : i32
    %dma_start3A_487 = tpu.memref_slice %arg5[%dma_start3A_486] : memref<512xi32, #tpu.memory_space<vmem>> -> memref<16xi32, #tpu.memory_space<vmem>>
    %dma_start3A_488 = arith.constant 0 : i32
    %dma_start3A_489 = arith.constant 0 : i32
    %dma_start3A_490 = tpu.memref_slice %arg2[%dma_start3A_488, %dma_start3A_489] : memref<100000x1024xf32, #tpu.memory_space<hbm>> -> memref<100000x1024xf32, #tpu.memory_space<hbm>>
    tpu.enqueue_indirect_dma source(%dma_start3A_490 : memref<100000x1024xf32, #tpu.memory_space<hbm>>) target(%arg10 : memref<16x1024xf32, #tpu.memory_space<vmem>>) offsets(%dma_start3A_487 : memref<16xi32, #tpu.memory_space<vmem>>) semaphore(%arg16 : memref<!tpu.dma_semaphore, #tpu.memory_space<semaphore_mem>>)
    %dma_wait3A_491 = arith.constant 368 : i32
    %dma_wait3A_492 = tpu.memref_slice %arg5[%dma_wait3A_491] : memref<512xi32, #tpu.memory_space<vmem>> -> memref<16xi32, #tpu.memory_space<vmem>>
    %dma_wait3A_493 = arith.constant 0 : i32
    %dma_wait3A_494 = arith.constant 0 : i32
    %dma_wait3A_495 = tpu.memref_slice %arg2[%dma_wait3A_493, %dma_wait3A_494] : memref<100000x1024xf32, #tpu.memory_space<hbm>> -> memref<100000x1024xf32, #tpu.memory_space<hbm>>
    tpu.wait_indirect_dma semaphore(%arg17 : memref<!tpu.dma_semaphore, #tpu.memory_space<semaphore_mem>>) src(%dma_wait3A_495 : memref<100000x1024xf32, #tpu.memory_space<hbm>>) dst(%arg11 : memref<16x1024xf32, #tpu.memory_space<vmem>>)
    %add3A_496 = arith.constant 368 : i32
    %add3A_497 = arith.addi %mul3A_2, %add3A_496 : i32
    %dma_start3A_498 = arith.constant 0 : i32
    %dma_start3A_499 = tpu.memref_slice %arg4[%add3A_497, %dma_start3A_498] : memref<16384x1024xf32, #tpu.memory_space<hbm>> -> memref<16x1024xf32, #tpu.memory_space<hbm>>
    %dma_start3A_500 = arith.constant 0 : i32
    %dma_start3A_501 = tpu.memref_slice %arg4[%add3A_497, %dma_start3A_500] : memref<16384x1024xf32, #tpu.memory_space<hbm>> -> memref<16x1024xf32, #tpu.memory_space<hbm>>
    tpu.enqueue_dma source(%arg11 : memref<16x1024xf32, #tpu.memory_space<vmem>>) target(%dma_start3A_501 : memref<16x1024xf32, #tpu.memory_space<hbm>>) target_semaphore(%arg23 : memref<!tpu.dma_semaphore, #tpu.memory_space<semaphore_mem>>)
    %dma_wait3A_502 = arith.constant 0 : i32
    %dma_wait3A_503 = tpu.memref_slice %arg4[%add3A_497, %dma_wait3A_502] : memref<16384x1024xf32, #tpu.memory_space<hbm>> -> memref<16x1024xf32, #tpu.memory_space<hbm>>
    %dma_wait3A_504 = arith.constant 0 : i32
    %dma_wait3A_505 = tpu.memref_slice %arg4[%add3A_497, %dma_wait3A_504] : memref<16384x1024xf32, #tpu.memory_space<hbm>> -> memref<16x1024xf32, #tpu.memory_space<hbm>>
    tpu.wait_dma2 semaphore(%arg23 : memref<!tpu.dma_semaphore, #tpu.memory_space<semaphore_mem>>) src(%arg11 : memref<16x1024xf32, #tpu.memory_space<vmem>>) dst(%dma_wait3A_505 : memref<16x1024xf32, #tpu.memory_space<hbm>>)
    %dma_start3A_506 = arith.constant 464 : i32
    %dma_start3A_507 = tpu.memref_slice %arg5[%dma_start3A_506] : memref<512xi32, #tpu.memory_space<vmem>> -> memref<16xi32, #tpu.memory_space<vmem>>
    %dma_start3A_508 = arith.constant 0 : i32
    %dma_start3A_509 = arith.constant 0 : i32
    %dma_start3A_510 = tpu.memref_slice %arg2[%dma_start3A_508, %dma_start3A_509] : memref<100000x1024xf32, #tpu.memory_space<hbm>> -> memref<100000x1024xf32, #tpu.memory_space<hbm>>
    tpu.enqueue_indirect_dma source(%dma_start3A_510 : memref<100000x1024xf32, #tpu.memory_space<hbm>>) target(%arg11 : memref<16x1024xf32, #tpu.memory_space<vmem>>) offsets(%dma_start3A_507 : memref<16xi32, #tpu.memory_space<vmem>>) semaphore(%arg17 : memref<!tpu.dma_semaphore, #tpu.memory_space<semaphore_mem>>)
    %dma_wait3A_511 = arith.constant 384 : i32
    %dma_wait3A_512 = tpu.memref_slice %arg5[%dma_wait3A_511] : memref<512xi32, #tpu.memory_space<vmem>> -> memref<16xi32, #tpu.memory_space<vmem>>
    %dma_wait3A_513 = arith.constant 0 : i32
    %dma_wait3A_514 = arith.constant 0 : i32
    %dma_wait3A_515 = tpu.memref_slice %arg2[%dma_wait3A_513, %dma_wait3A_514] : memref<100000x1024xf32, #tpu.memory_space<hbm>> -> memref<100000x1024xf32, #tpu.memory_space<hbm>>
    tpu.wait_indirect_dma semaphore(%arg12 : memref<!tpu.dma_semaphore, #tpu.memory_space<semaphore_mem>>) src(%dma_wait3A_515 : memref<100000x1024xf32, #tpu.memory_space<hbm>>) dst(%arg6 : memref<16x1024xf32, #tpu.memory_space<vmem>>)
    %add3A_516 = arith.constant 384 : i32
    %add3A_517 = arith.addi %mul3A_2, %add3A_516 : i32
    %dma_start3A_518 = arith.constant 0 : i32
    %dma_start3A_519 = tpu.memref_slice %arg4[%add3A_517, %dma_start3A_518] : memref<16384x1024xf32, #tpu.memory_space<hbm>> -> memref<16x1024xf32, #tpu.memory_space<hbm>>
    %dma_start3A_520 = arith.constant 0 : i32
    %dma_start3A_521 = tpu.memref_slice %arg4[%add3A_517, %dma_start3A_520] : memref<16384x1024xf32, #tpu.memory_space<hbm>> -> memref<16x1024xf32, #tpu.memory_space<hbm>>
    tpu.enqueue_dma source(%arg6 : memref<16x1024xf32, #tpu.memory_space<vmem>>) target(%dma_start3A_521 : memref<16x1024xf32, #tpu.memory_space<hbm>>) target_semaphore(%arg18 : memref<!tpu.dma_semaphore, #tpu.memory_space<semaphore_mem>>)
    %dma_wait3A_522 = arith.constant 0 : i32
    %dma_wait3A_523 = tpu.memref_slice %arg4[%add3A_517, %dma_wait3A_522] : memref<16384x1024xf32, #tpu.memory_space<hbm>> -> memref<16x1024xf32, #tpu.memory_space<hbm>>
    %dma_wait3A_524 = arith.constant 0 : i32
    %dma_wait3A_525 = tpu.memref_slice %arg4[%add3A_517, %dma_wait3A_524] : memref<16384x1024xf32, #tpu.memory_space<hbm>> -> memref<16x1024xf32, #tpu.memory_space<hbm>>
    tpu.wait_dma2 semaphore(%arg18 : memref<!tpu.dma_semaphore, #tpu.memory_space<semaphore_mem>>) src(%arg6 : memref<16x1024xf32, #tpu.memory_space<vmem>>) dst(%dma_wait3A_525 : memref<16x1024xf32, #tpu.memory_space<hbm>>)
    %dma_start3A_526 = arith.constant 480 : i32
    %dma_start3A_527 = tpu.memref_slice %arg5[%dma_start3A_526] : memref<512xi32, #tpu.memory_space<vmem>> -> memref<16xi32, #tpu.memory_space<vmem>>
    %dma_start3A_528 = arith.constant 0 : i32
    %dma_start3A_529 = arith.constant 0 : i32
    %dma_start3A_530 = tpu.memref_slice %arg2[%dma_start3A_528, %dma_start3A_529] : memref<100000x1024xf32, #tpu.memory_space<hbm>> -> memref<100000x1024xf32, #tpu.memory_space<hbm>>
    tpu.enqueue_indirect_dma source(%dma_start3A_530 : memref<100000x1024xf32, #tpu.memory_space<hbm>>) target(%arg6 : memref<16x1024xf32, #tpu.memory_space<vmem>>) offsets(%dma_start3A_527 : memref<16xi32, #tpu.memory_space<vmem>>) semaphore(%arg12 : memref<!tpu.dma_semaphore, #tpu.memory_space<semaphore_mem>>)
    %dma_wait3A_531 = arith.constant 400 : i32
    %dma_wait3A_532 = tpu.memref_slice %arg5[%dma_wait3A_531] : memref<512xi32, #tpu.memory_space<vmem>> -> memref<16xi32, #tpu.memory_space<vmem>>
    %dma_wait3A_533 = arith.constant 0 : i32
    %dma_wait3A_534 = arith.constant 0 : i32
    %dma_wait3A_535 = tpu.memref_slice %arg2[%dma_wait3A_533, %dma_wait3A_534] : memref<100000x1024xf32, #tpu.memory_space<hbm>> -> memref<100000x1024xf32, #tpu.memory_space<hbm>>
    tpu.wait_indirect_dma semaphore(%arg13 : memref<!tpu.dma_semaphore, #tpu.memory_space<semaphore_mem>>) src(%dma_wait3A_535 : memref<100000x1024xf32, #tpu.memory_space<hbm>>) dst(%arg7 : memref<16x1024xf32, #tpu.memory_space<vmem>>)
    %add3A_536 = arith.constant 400 : i32
    %add3A_537 = arith.addi %mul3A_2, %add3A_536 : i32
    %dma_start3A_538 = arith.constant 0 : i32
    %dma_start3A_539 = tpu.memref_slice %arg4[%add3A_537, %dma_start3A_538] : memref<16384x1024xf32, #tpu.memory_space<hbm>> -> memref<16x1024xf32, #tpu.memory_space<hbm>>
    %dma_start3A_540 = arith.constant 0 : i32
    %dma_start3A_541 = tpu.memref_slice %arg4[%add3A_537, %dma_start3A_540] : memref<16384x1024xf32, #tpu.memory_space<hbm>> -> memref<16x1024xf32, #tpu.memory_space<hbm>>
    tpu.enqueue_dma source(%arg7 : memref<16x1024xf32, #tpu.memory_space<vmem>>) target(%dma_start3A_541 : memref<16x1024xf32, #tpu.memory_space<hbm>>) target_semaphore(%arg19 : memref<!tpu.dma_semaphore, #tpu.memory_space<semaphore_mem>>)
    %dma_wait3A_542 = arith.constant 0 : i32
    %dma_wait3A_543 = tpu.memref_slice %arg4[%add3A_537, %dma_wait3A_542] : memref<16384x1024xf32, #tpu.memory_space<hbm>> -> memref<16x1024xf32, #tpu.memory_space<hbm>>
    %dma_wait3A_544 = arith.constant 0 : i32
    %dma_wait3A_545 = tpu.memref_slice %arg4[%add3A_537, %dma_wait3A_544] : memref<16384x1024xf32, #tpu.memory_space<hbm>> -> memref<16x1024xf32, #tpu.memory_space<hbm>>
    tpu.wait_dma2 semaphore(%arg19 : memref<!tpu.dma_semaphore, #tpu.memory_space<semaphore_mem>>) src(%arg7 : memref<16x1024xf32, #tpu.memory_space<vmem>>) dst(%dma_wait3A_545 : memref<16x1024xf32, #tpu.memory_space<hbm>>)
    %dma_start3A_546 = arith.constant 496 : i32
    %dma_start3A_547 = tpu.memref_slice %arg5[%dma_start3A_546] : memref<512xi32, #tpu.memory_space<vmem>> -> memref<16xi32, #tpu.memory_space<vmem>>
    %dma_start3A_548 = arith.constant 0 : i32
    %dma_start3A_549 = arith.constant 0 : i32
    %dma_start3A_550 = tpu.memref_slice %arg2[%dma_start3A_548, %dma_start3A_549] : memref<100000x1024xf32, #tpu.memory_space<hbm>> -> memref<100000x1024xf32, #tpu.memory_space<hbm>>
    tpu.enqueue_indirect_dma source(%dma_start3A_550 : memref<100000x1024xf32, #tpu.memory_space<hbm>>) target(%arg7 : memref<16x1024xf32, #tpu.memory_space<vmem>>) offsets(%dma_start3A_547 : memref<16xi32, #tpu.memory_space<vmem>>) semaphore(%arg13 : memref<!tpu.dma_semaphore, #tpu.memory_space<semaphore_mem>>)
    %dma_wait3A_551 = arith.constant 416 : i32
    %dma_wait3A_552 = tpu.memref_slice %arg5[%dma_wait3A_551] : memref<512xi32, #tpu.memory_space<vmem>> -> memref<16xi32, #tpu.memory_space<vmem>>
    %dma_wait3A_553 = arith.constant 0 : i32
    %dma_wait3A_554 = arith.constant 0 : i32
    %dma_wait3A_555 = tpu.memref_slice %arg2[%dma_wait3A_553, %dma_wait3A_554] : memref<100000x1024xf32, #tpu.memory_space<hbm>> -> memref<100000x1024xf32, #tpu.memory_space<hbm>>
    tpu.wait_indirect_dma semaphore(%arg14 : memref<!tpu.dma_semaphore, #tpu.memory_space<semaphore_mem>>) src(%dma_wait3A_555 : memref<100000x1024xf32, #tpu.memory_space<hbm>>) dst(%arg8 : memref<16x1024xf32, #tpu.memory_space<vmem>>)
    %add3A_556 = arith.constant 416 : i32
    %add3A_557 = arith.addi %mul3A_2, %add3A_556 : i32
    %dma_start3A_558 = arith.constant 0 : i32
    %dma_start3A_559 = tpu.memref_slice %arg4[%add3A_557, %dma_start3A_558] : memref<16384x1024xf32, #tpu.memory_space<hbm>> -> memref<16x1024xf32, #tpu.memory_space<hbm>>
    %dma_start3A_560 = arith.constant 0 : i32
    %dma_start3A_561 = tpu.memref_slice %arg4[%add3A_557, %dma_start3A_560] : memref<16384x1024xf32, #tpu.memory_space<hbm>> -> memref<16x1024xf32, #tpu.memory_space<hbm>>
    tpu.enqueue_dma source(%arg8 : memref<16x1024xf32, #tpu.memory_space<vmem>>) target(%dma_start3A_561 : memref<16x1024xf32, #tpu.memory_space<hbm>>) target_semaphore(%arg20 : memref<!tpu.dma_semaphore, #tpu.memory_space<semaphore_mem>>)
    %dma_wait3A_562 = arith.constant 432 : i32
    %dma_wait3A_563 = tpu.memref_slice %arg5[%dma_wait3A_562] : memref<512xi32, #tpu.memory_space<vmem>> -> memref<16xi32, #tpu.memory_space<vmem>>
    %dma_wait3A_564 = arith.constant 0 : i32
    %dma_wait3A_565 = arith.constant 0 : i32
    %dma_wait3A_566 = tpu.memref_slice %arg2[%dma_wait3A_564, %dma_wait3A_565] : memref<100000x1024xf32, #tpu.memory_space<hbm>> -> memref<100000x1024xf32, #tpu.memory_space<hbm>>
    tpu.wait_indirect_dma semaphore(%arg15 : memref<!tpu.dma_semaphore, #tpu.memory_space<semaphore_mem>>) src(%dma_wait3A_566 : memref<100000x1024xf32, #tpu.memory_space<hbm>>) dst(%arg9 : memref<16x1024xf32, #tpu.memory_space<vmem>>)
    %add3A_567 = arith.constant 432 : i32
    %add3A_568 = arith.addi %mul3A_2, %add3A_567 : i32
    %dma_start3A_569 = arith.constant 0 : i32
    %dma_start3A_570 = tpu.memref_slice %arg4[%add3A_568, %dma_start3A_569] : memref<16384x1024xf32, #tpu.memory_space<hbm>> -> memref<16x1024xf32, #tpu.memory_space<hbm>>
    %dma_start3A_571 = arith.constant 0 : i32
    %dma_start3A_572 = tpu.memref_slice %arg4[%add3A_568, %dma_start3A_571] : memref<16384x1024xf32, #tpu.memory_space<hbm>> -> memref<16x1024xf32, #tpu.memory_space<hbm>>
    tpu.enqueue_dma source(%arg9 : memref<16x1024xf32, #tpu.memory_space<vmem>>) target(%dma_start3A_572 : memref<16x1024xf32, #tpu.memory_space<hbm>>) target_semaphore(%arg21 : memref<!tpu.dma_semaphore, #tpu.memory_space<semaphore_mem>>)
    %dma_wait3A_573 = arith.constant 448 : i32
    %dma_wait3A_574 = tpu.memref_slice %arg5[%dma_wait3A_573] : memref<512xi32, #tpu.memory_space<vmem>> -> memref<16xi32, #tpu.memory_space<vmem>>
    %dma_wait3A_575 = arith.constant 0 : i32
    %dma_wait3A_576 = arith.constant 0 : i32
    %dma_wait3A_577 = tpu.memref_slice %arg2[%dma_wait3A_575, %dma_wait3A_576] : memref<100000x1024xf32, #tpu.memory_space<hbm>> -> memref<100000x1024xf32, #tpu.memory_space<hbm>>
    tpu.wait_indirect_dma semaphore(%arg16 : memref<!tpu.dma_semaphore, #tpu.memory_space<semaphore_mem>>) src(%dma_wait3A_577 : memref<100000x1024xf32, #tpu.memory_space<hbm>>) dst(%arg10 : memref<16x1024xf32, #tpu.memory_space<vmem>>)
    %add3A_578 = arith.constant 448 : i32
    %add3A_579 = arith.addi %mul3A_2, %add3A_578 : i32
    %dma_start3A_580 = arith.constant 0 : i32
    %dma_start3A_581 = tpu.memref_slice %arg4[%add3A_579, %dma_start3A_580] : memref<16384x1024xf32, #tpu.memory_space<hbm>> -> memref<16x1024xf32, #tpu.memory_space<hbm>>
    %dma_start3A_582 = arith.constant 0 : i32
    %dma_start3A_583 = tpu.memref_slice %arg4[%add3A_579, %dma_start3A_582] : memref<16384x1024xf32, #tpu.memory_space<hbm>> -> memref<16x1024xf32, #tpu.memory_space<hbm>>
    tpu.enqueue_dma source(%arg10 : memref<16x1024xf32, #tpu.memory_space<vmem>>) target(%dma_start3A_583 : memref<16x1024xf32, #tpu.memory_space<hbm>>) target_semaphore(%arg22 : memref<!tpu.dma_semaphore, #tpu.memory_space<semaphore_mem>>)
    %dma_wait3A_584 = arith.constant 464 : i32
    %dma_wait3A_585 = tpu.memref_slice %arg5[%dma_wait3A_584] : memref<512xi32, #tpu.memory_space<vmem>> -> memref<16xi32, #tpu.memory_space<vmem>>
    %dma_wait3A_586 = arith.constant 0 : i32
    %dma_wait3A_587 = arith.constant 0 : i32
    %dma_wait3A_588 = tpu.memref_slice %arg2[%dma_wait3A_586, %dma_wait3A_587] : memref<100000x1024xf32, #tpu.memory_space<hbm>> -> memref<100000x1024xf32, #tpu.memory_space<hbm>>
    tpu.wait_indirect_dma semaphore(%arg17 : memref<!tpu.dma_semaphore, #tpu.memory_space<semaphore_mem>>) src(%dma_wait3A_588 : memref<100000x1024xf32, #tpu.memory_space<hbm>>) dst(%arg11 : memref<16x1024xf32, #tpu.memory_space<vmem>>)
    %add3A_589 = arith.constant 464 : i32
    %add3A_590 = arith.addi %mul3A_2, %add3A_589 : i32
    %dma_start3A_591 = arith.constant 0 : i32
    %dma_start3A_592 = tpu.memref_slice %arg4[%add3A_590, %dma_start3A_591] : memref<16384x1024xf32, #tpu.memory_space<hbm>> -> memref<16x1024xf32, #tpu.memory_space<hbm>>
    %dma_start3A_593 = arith.constant 0 : i32
    %dma_start3A_594 = tpu.memref_slice %arg4[%add3A_590, %dma_start3A_593] : memref<16384x1024xf32, #tpu.memory_space<hbm>> -> memref<16x1024xf32, #tpu.memory_space<hbm>>
    tpu.enqueue_dma source(%arg11 : memref<16x1024xf32, #tpu.memory_space<vmem>>) target(%dma_start3A_594 : memref<16x1024xf32, #tpu.memory_space<hbm>>) target_semaphore(%arg23 : memref<!tpu.dma_semaphore, #tpu.memory_space<semaphore_mem>>)
    %dma_wait3A_595 = arith.constant 480 : i32
    %dma_wait3A_596 = tpu.memref_slice %arg5[%dma_wait3A_595] : memref<512xi32, #tpu.memory_space<vmem>> -> memref<16xi32, #tpu.memory_space<vmem>>
    %dma_wait3A_597 = arith.constant 0 : i32
    %dma_wait3A_598 = arith.constant 0 : i32
    %dma_wait3A_599 = tpu.memref_slice %arg2[%dma_wait3A_597, %dma_wait3A_598] : memref<100000x1024xf32, #tpu.memory_space<hbm>> -> memref<100000x1024xf32, #tpu.memory_space<hbm>>
    tpu.wait_indirect_dma semaphore(%arg12 : memref<!tpu.dma_semaphore, #tpu.memory_space<semaphore_mem>>) src(%dma_wait3A_599 : memref<100000x1024xf32, #tpu.memory_space<hbm>>) dst(%arg6 : memref<16x1024xf32, #tpu.memory_space<vmem>>)
    %add3A_600 = arith.constant 480 : i32
    %add3A_601 = arith.addi %mul3A_2, %add3A_600 : i32
    %dma_start3A_602 = arith.constant 0 : i32
    %dma_start3A_603 = tpu.memref_slice %arg4[%add3A_601, %dma_start3A_602] : memref<16384x1024xf32, #tpu.memory_space<hbm>> -> memref<16x1024xf32, #tpu.memory_space<hbm>>
    %dma_start3A_604 = arith.constant 0 : i32
    %dma_start3A_605 = tpu.memref_slice %arg4[%add3A_601, %dma_start3A_604] : memref<16384x1024xf32, #tpu.memory_space<hbm>> -> memref<16x1024xf32, #tpu.memory_space<hbm>>
    tpu.enqueue_dma source(%arg6 : memref<16x1024xf32, #tpu.memory_space<vmem>>) target(%dma_start3A_605 : memref<16x1024xf32, #tpu.memory_space<hbm>>) target_semaphore(%arg18 : memref<!tpu.dma_semaphore, #tpu.memory_space<semaphore_mem>>)
    %dma_wait3A_606 = arith.constant 496 : i32
    %dma_wait3A_607 = tpu.memref_slice %arg5[%dma_wait3A_606] : memref<512xi32, #tpu.memory_space<vmem>> -> memref<16xi32, #tpu.memory_space<vmem>>
    %dma_wait3A_608 = arith.constant 0 : i32
    %dma_wait3A_609 = arith.constant 0 : i32
    %dma_wait3A_610 = tpu.memref_slice %arg2[%dma_wait3A_608, %dma_wait3A_609] : memref<100000x1024xf32, #tpu.memory_space<hbm>> -> memref<100000x1024xf32, #tpu.memory_space<hbm>>
    tpu.wait_indirect_dma semaphore(%arg13 : memref<!tpu.dma_semaphore, #tpu.memory_space<semaphore_mem>>) src(%dma_wait3A_610 : memref<100000x1024xf32, #tpu.memory_space<hbm>>) dst(%arg7 : memref<16x1024xf32, #tpu.memory_space<vmem>>)
    %add3A_611 = arith.constant 496 : i32
    %add3A_612 = arith.addi %mul3A_2, %add3A_611 : i32
    %dma_start3A_613 = arith.constant 0 : i32
    %dma_start3A_614 = tpu.memref_slice %arg4[%add3A_612, %dma_start3A_613] : memref<16384x1024xf32, #tpu.memory_space<hbm>> -> memref<16x1024xf32, #tpu.memory_space<hbm>>
    %dma_start3A_615 = arith.constant 0 : i32
    %dma_start3A_616 = tpu.memref_slice %arg4[%add3A_612, %dma_start3A_615] : memref<16384x1024xf32, #tpu.memory_space<hbm>> -> memref<16x1024xf32, #tpu.memory_space<hbm>>
    tpu.enqueue_dma source(%arg7 : memref<16x1024xf32, #tpu.memory_space<vmem>>) target(%dma_start3A_616 : memref<16x1024xf32, #tpu.memory_space<hbm>>) target_semaphore(%arg19 : memref<!tpu.dma_semaphore, #tpu.memory_space<semaphore_mem>>)
    %dma_wait3A_617 = arith.constant 0 : i32
    %dma_wait3A_618 = tpu.memref_slice %arg4[%add3A_557, %dma_wait3A_617] : memref<16384x1024xf32, #tpu.memory_space<hbm>> -> memref<16x1024xf32, #tpu.memory_space<hbm>>
    %dma_wait3A_619 = arith.constant 0 : i32
    %dma_wait3A_620 = tpu.memref_slice %arg4[%add3A_557, %dma_wait3A_619] : memref<16384x1024xf32, #tpu.memory_space<hbm>> -> memref<16x1024xf32, #tpu.memory_space<hbm>>
    tpu.wait_dma2 semaphore(%arg20 : memref<!tpu.dma_semaphore, #tpu.memory_space<semaphore_mem>>) src(%arg8 : memref<16x1024xf32, #tpu.memory_space<vmem>>) dst(%dma_wait3A_620 : memref<16x1024xf32, #tpu.memory_space<hbm>>)
    %dma_wait3A_621 = arith.constant 0 : i32
    %dma_wait3A_622 = tpu.memref_slice %arg4[%add3A_568, %dma_wait3A_621] : memref<16384x1024xf32, #tpu.memory_space<hbm>> -> memref<16x1024xf32, #tpu.memory_space<hbm>>
    %dma_wait3A_623 = arith.constant 0 : i32
    %dma_wait3A_624 = tpu.memref_slice %arg4[%add3A_568, %dma_wait3A_623] : memref<16384x1024xf32, #tpu.memory_space<hbm>> -> memref<16x1024xf32, #tpu.memory_space<hbm>>
    tpu.wait_dma2 semaphore(%arg21 : memref<!tpu.dma_semaphore, #tpu.memory_space<semaphore_mem>>) src(%arg9 : memref<16x1024xf32, #tpu.memory_space<vmem>>) dst(%dma_wait3A_624 : memref<16x1024xf32, #tpu.memory_space<hbm>>)
    %dma_wait3A_625 = arith.constant 0 : i32
    %dma_wait3A_626 = tpu.memref_slice %arg4[%add3A_579, %dma_wait3A_625] : memref<16384x1024xf32, #tpu.memory_space<hbm>> -> memref<16x1024xf32, #tpu.memory_space<hbm>>
    %dma_wait3A_627 = arith.constant 0 : i32
    %dma_wait3A_628 = tpu.memref_slice %arg4[%add3A_579, %dma_wait3A_627] : memref<16384x1024xf32, #tpu.memory_space<hbm>> -> memref<16x1024xf32, #tpu.memory_space<hbm>>
    tpu.wait_dma2 semaphore(%arg22 : memref<!tpu.dma_semaphore, #tpu.memory_space<semaphore_mem>>) src(%arg10 : memref<16x1024xf32, #tpu.memory_space<vmem>>) dst(%dma_wait3A_628 : memref<16x1024xf32, #tpu.memory_space<hbm>>)
    %dma_wait3A_629 = arith.constant 0 : i32
    %dma_wait3A_630 = tpu.memref_slice %arg4[%add3A_590, %dma_wait3A_629] : memref<16384x1024xf32, #tpu.memory_space<hbm>> -> memref<16x1024xf32, #tpu.memory_space<hbm>>
    %dma_wait3A_631 = arith.constant 0 : i32
    %dma_wait3A_632 = tpu.memref_slice %arg4[%add3A_590, %dma_wait3A_631] : memref<16384x1024xf32, #tpu.memory_space<hbm>> -> memref<16x1024xf32, #tpu.memory_space<hbm>>
    tpu.wait_dma2 semaphore(%arg23 : memref<!tpu.dma_semaphore, #tpu.memory_space<semaphore_mem>>) src(%arg11 : memref<16x1024xf32, #tpu.memory_space<vmem>>) dst(%dma_wait3A_632 : memref<16x1024xf32, #tpu.memory_space<hbm>>)
    %dma_wait3A_633 = arith.constant 0 : i32
    %dma_wait3A_634 = tpu.memref_slice %arg4[%add3A_601, %dma_wait3A_633] : memref<16384x1024xf32, #tpu.memory_space<hbm>> -> memref<16x1024xf32, #tpu.memory_space<hbm>>
    %dma_wait3A_635 = arith.constant 0 : i32
    %dma_wait3A_636 = tpu.memref_slice %arg4[%add3A_601, %dma_wait3A_635] : memref<16384x1024xf32, #tpu.memory_space<hbm>> -> memref<16x1024xf32, #tpu.memory_space<hbm>>
    tpu.wait_dma2 semaphore(%arg18 : memref<!tpu.dma_semaphore, #tpu.memory_space<semaphore_mem>>) src(%arg6 : memref<16x1024xf32, #tpu.memory_space<vmem>>) dst(%dma_wait3A_636 : memref<16x1024xf32, #tpu.memory_space<hbm>>)
    %dma_wait3A_637 = arith.constant 0 : i32
    %dma_wait3A_638 = tpu.memref_slice %arg4[%add3A_612, %dma_wait3A_637] : memref<16384x1024xf32, #tpu.memory_space<hbm>> -> memref<16x1024xf32, #tpu.memory_space<hbm>>
    %dma_wait3A_639 = arith.constant 0 : i32
    %dma_wait3A_640 = tpu.memref_slice %arg4[%add3A_612, %dma_wait3A_639] : memref<16384x1024xf32, #tpu.memory_space<hbm>> -> memref<16x1024xf32, #tpu.memory_space<hbm>>
    tpu.wait_dma2 semaphore(%arg19 : memref<!tpu.dma_semaphore, #tpu.memory_space<semaphore_mem>>) src(%arg7 : memref<16x1024xf32, #tpu.memory_space<vmem>>) dst(%dma_wait3A_640 : memref<16x1024xf32, #tpu.memory_space<hbm>>)
    return
  }
}

</mosaic_0001>

<sc_bundles>
// kernel: _embed.3.cloned.1.call-start
scs
__scs_entry_jumppad:
0x0: {  	(pc) =	sbr.rel $0x88, $3  }
0x1: {  	(tag) =	ssettag $0x0;
	lr =	simm.s32 $0x1  }
0x2: {  	[smem:$0x3F9F] =	sst lr;
	_ =	strace $0xD0000000  }
0x3: {  	_ = 	snop  }
0x4: {  	_ = 	snop  }
0x5: {  	_ = 	snop  }
0x6: {  	_ = 	snop  }
0x7: {  	_ = 	snop  }
__scs_overlays_trampoline_lowered:
0x8: {  	[smem:$0x3FAE] =	sst s0  }
0x9: {  	[smem:$0x3FAF] =	sst s1  }
0xa: {  	[smem:$0x3FB0] =	sst s2  }
0xb: {  	[smem:$0x3FB1] =	sst s3  }
0xc: {  	[smem:$0x3FB2] =	sst s4  }
0xd: {  	[smem:$0x3FB3] =	sst s5  }
0xe: {  	[smem:$0x3FB4] =	sst s6  }
0xf: {  	[smem:$0x3FB5] =	sst s7  }
0x10: {  	[smem:$0x3FB6] =	sst s8  }
0x11: {  	[smem:$0x3FB7] =	sst s9;
	s0 =	simm.s32 @!p0 $0x0  }
0x12: {  	s1 =	sld [smem:$0x3F9D];
	s0 =	simm.s32 @p0 $0x1  }
0x13: {  	[smem:$0x3FB8] =	sst s0;
	s0 =	simm.s32 @!p1 $0x0  }
0x14: {  	s2 =	sld [smem:$0x3F9C];
	s0 =	simm.s32 @p1 $0x1  }
0x15: {  	[smem:$0x3FB9] =	sst s0;
	s0 =	simm.s32 @!p2 $0x0  }
0x16: {  	s3 =	sld [smem:$0x3FDB];
	s0 =	simm.s32 @p2 $0x1  }
0x17: {  	s4 =	simm.s32 $0x1BF5;
	[smem:$0x3FBB] =	sst s0  }
0x18: {  	s0 =	sld [smem:$0x3F9E];
	_ =	swait.ge [sflag:s4], $0x0  }
0x19: {  	s7 =	sld [smem:$0x3F9F]  }
0x1a: {  	s8 =	sadd.s32 $0xFFFFE003, lr  }
0x1b: {  	s9 =	sadd.s32 $0xFFFFFEF7, lr;
	s5 =	simm.s32 $0xFFFFFFFF;
	p2 =	slt.u32 s8, $0xFFFFF086  }
0x1c: {  	p1 =	slt.u32 s9, $0xF7A;
	s5 =	simm.s32 @!p2 $0x0  }
0x1d: {  	s5 =	simm.s32 @p1 $0x1;
	p0 =	seq.s32 s7, s2  }
0x1e: {  	s7 =	smul.u32 @!p0 $0xF7A, s2;
	p2 =	seq.s32 @!p0 s5, $0x0  }
0x1f: {  	s9 =	smul.u32 $0xF7A, s1;
	s8 =	simm.s32 @!p0 $0x1BF5;
	p2 =	por !p2, p0  }
0x20: {  	[sflag:s8] =	ssyncset.s32 @!p0 $0xFFFFF086;
	s6 =	sadd.s32 @!p0 s3, s7;
	s7 =	simm.s32 @!p0 $0x108  }
0x21: {  	s3 =	sadd.s32 s3, s9;
	s6 =	sadd.s32 @!p0 $0x88, s6;
	s7 =	simm.s32 @p2 $0x1082  }
0x22: {  	[simem:s7], [sflag:s8] =	dma.local @!p0 [hbm:s6], $0xF7A  }
0x23: {  	s9 =	sor.u32 $0xD0000000, s2;
	s6 =	simm.s32 $0x108;
	_ =	swait.ge @!p0 [sflag:s8], $0x0  }
0x24: {  	s3 =	sadd.s32 $0x88, s3;
	s6 =	simm.s32 @!p1 $0x1082;
	[sflag:s4] =	ssyncset.s32 $0xFFFFF086  }
0x25: {  	[simem:s6], [sflag:s4] =	dma.local [hbm:s3], $0xF7A  }
0x26: {  	[smem:$0x3F9F] =	sst s1;
	(tag) =	ssettag s2;
	_ =	strace s9  }
0x27: {  	s1 =	sld [smem:$0x3FAF]  }
0x28: {  	s2 =	sld [smem:$0x3FB0]  }
0x29: {  	s4 =	sld [smem:$0x3FB2]  }
0x2a: {  	p0 =	seq.s32 s5, $0x0;
	s5 =	sld [smem:$0x3FB3]  }
0x2b: {  	s6 =	sld [smem:$0x3FB4]  }
0x2c: {  	s7 =	sld [smem:$0x3FB5]  }
0x2d: {  	s3 =	simm.s32 $0x108;
	s8 =	sld [smem:$0x3FB6]  }
0x2e: {  	s3 =	simm.s32 @!p0 $0x1082;
	s9 =	sld [smem:$0x3FB7]  }
0x2f: {  	lr =	sadd.s32 s0, s3;
	s0 =	sld [smem:$0x3FAE]  }
0x30: {  	s3 =	sld [smem:$0x3FB1]  }
0x31: {  	[smem:$0x3FBA] =	sst s10  }
0x32: {  	s10 =	sld [smem:$0x3FB8];
	_ =	sdelay $0x3  }
0x33: {  	p0 =	seq.s32 s10, $0x1;
	s10 =	sld [smem:$0x3FBA];
	_ =	sdelay $0x3  }
0x34: {  	[smem:$0x3FBA] =	sst s10  }
0x35: {  	s10 =	sld [smem:$0x3FB9];
	_ =	sdelay $0x3  }
0x36: {  	p1 =	seq.s32 s10, $0x1;
	s10 =	sld [smem:$0x3FBA];
	_ =	sdelay $0x3  }
0x37: {  	[smem:$0x3FBA] =	sst s10  }
0x38: {  	s10 =	sld [smem:$0x3FBB]  }
0x39: {  	_ = 	snop;
	(pc) =	sbr.ind lr, $3  }
0x3a: {  	_ = 	snop  }
0x3b: {  	_ = 	snop  }
0x3c: {  	p2 =	seq.s32 s10, $0x1;
	s10 =	sld [smem:$0x3FBA]  }
0x3d: {  	_ =	shalt  }
0x3e: {  	_ =	shalt  }
0x3f: {  	_ =	shalt  }
0x40: {  	_ =	shalt  }
0x41: {  	_ =	shalt  }
0x42: {  	_ =	shalt  }
0x43: {  	_ =	shalt  }
0x44: {  	_ =	shalt  }
0x45: {  	_ =	shalt  }
0x46: {  	_ =	shalt  }
0x47: {  	_ =	shalt  }
0x48: {  	_ =	shalt  }
0x49: {  	_ =	shalt  }
0x4a: {  	_ =	shalt  }
0x4b: {  	_ =	shalt  }
0x4c: {  	_ =	shalt  }
0x4d: {  	_ =	shalt  }
0x4e: {  	_ =	shalt  }
0x4f: {  	_ =	shalt  }
0x50: {  	_ =	shalt  }
0x51: {  	_ =	shalt  }
0x52: {  	_ =	shalt  }
0x53: {  	_ =	shalt  }
0x54: {  	_ =	shalt  }
0x55: {  	_ =	shalt  }
0x56: {  	_ =	shalt  }
0x57: {  	_ =	shalt  }
0x58: {  	_ =	shalt  }
0x59: {  	_ =	shalt  }
0x5a: {  	_ =	shalt  }
0x5b: {  	_ =	shalt  }
0x5c: {  	_ =	shalt  }
0x5d: {  	_ =	shalt  }
0x5e: {  	_ =	shalt  }
0x5f: {  	_ =	shalt  }
0x60: {  	_ =	shalt  }
0x61: {  	_ =	shalt  }
0x62: {  	_ =	shalt  }
0x63: {  	_ =	shalt  }
0x64: {  	_ =	shalt  }
0x65: {  	_ =	shalt  }
0x66: {  	_ =	shalt  }
0x67: {  	_ =	shalt  }
0x68: {  	_ =	shalt  }
0x69: {  	_ =	shalt  }
0x6a: {  	_ =	shalt  }
0x6b: {  	_ =	shalt  }
0x6c: {  	_ =	shalt  }
0x6d: {  	_ =	shalt  }
0x6e: {  	_ =	shalt  }
0x6f: {  	_ =	shalt  }
0x70: {  	_ =	shalt  }
0x71: {  	_ =	shalt  }
0x72: {  	_ =	shalt  }
0x73: {  	_ =	shalt  }
0x74: {  	_ =	shalt  }
0x75: {  	_ =	shalt  }
0x76: {  	_ =	shalt  }
0x77: {  	_ =	shalt  }
0x78: {  	_ =	shalt  }
0x79: {  	_ =	shalt  }
0x7a: {  	_ =	shalt  }
0x7b: {  	_ =	shalt  }
0x7c: {  	_ =	shalt  }
0x7d: {  	_ =	shalt  }
0x7e: {  	_ =	shalt  }
0x7f: {  	_ =	shalt  }
0x80: {  	_ =	shalt  }
0x81: {  	_ =	shalt  }
0x82: {  	_ =	shalt  }
0x83: {  	_ =	shalt  }
0x84: {  	_ =	shalt  }
0x85: {  	_ =	shalt  }
0x86: {  	_ =	shalt  }
0x87: {  	_ =	shalt  }
.Lfunc_end0:
.L_simem_size_0:
called_computation_lowered:
.L_overlay_start_0:
0x88: {  	s2 =	sld [smem:$0x3FD9]  }
0x89: {  	s3 =	sld [smem:$0x3FFE];
	_ =	sdelay $0x1  }
0x8a: {  	s1 =	srdreg.scid  }
0x8b: {  	s0 =	sand.u32 $0x1, s1  }
0x8c: {  	s18 =	sshll.u32 s0, $0xA;
	s2 =	sadd.s32 s3, s2  }
0x8d: {  	s2 =	sadd.s32 s2, s18  }
0x8e: {  	[smem:$0x3FC6] =	sst s2  }
0x8f: {  	_ = 	snop  }
0x90: {  	s2 =	sld [smem:$0x3FC9]  }
0x91: {  	s19 =	sld [smem:$0x3FC8]  }
0x92: {  	s4 =	sld [smem:$0x3FD0];
	(tm) =	ssettm $0x1  }
0x93: {  	s5 =	sld [smem:$0x3FFB];
	_ =	sdelay $0x3  }
0x94: {  	_ =	strace s5  }
0x95: {  	s5 =	sld [smem:$0x3FFC];
	_ =	sdelay $0x3  }
0x96: {  	_ =	strace s5  }
0x97: {  	s5 =	sld [smem:$0x3FFD];
	_ =	sdelay $0x3  }
0x98: {  	_ =	strace s5  }
0x99: {  	_ =	strace $0x8FFFFFFF  }
0x9a: {  	s20 =	sld [smem:$0x3FDB];
	_ =	sdelay $0x1  }
0x9b: {  	s6 =	simm.s32 $_scs_section_size  }
0x9c: {  	s7 =	simm.s32 $_size__tile_overlayer_lowered;
	s8 =	simm.s32 $_tile_overlayer_lowered  }
0x9d: {  	s23 =	simm.s32 $0x1BFF;
	s22 =	sshll.u32 s8, $0x1;
	s5 =	sadd.s32 s6, s20  }
0x9e: {  	s9 =	simm.s32 $0x0;
	s21 =	sshll.u32 s7, $0x1;
	s7 =	sadd.s32 s22, s5  }
0x9f: {  	[timem:s9], [sflag:s23] =	dma.local [hbm:s7], s21  }
0xa0: {  	_ =	swait.ge [sflag:s23], s21  }
0xa1: {  	s6 =	ssub.s32 $0x0, s21;
	[sflag:s23] =	ssyncset.done $0x0  }
0xa2: {  	[sflag:s23] =	ssyncadd.s32 s6;
	_ =	sdelay $0x1  }
0xa3: {  	s24 =	simm.s32 $0x1B8B  }
0xa4: {  	_ =	swait.ge [sflag:s24], $0x1  }
0xa5: {  	[sflag:s24] =	ssyncset.done $0x0  }
0xa6: {  	s25 =	simm.s32 $0x1B8E;
	[sflag:s24] =	ssyncadd.s32 $0xFFFFFFFF  }
0xa7: {  	s26 =	simm.s32 $execute0_lowered;
	[smem:$0x3FD2] =	sst s25  }
0xa8: {  	s6 =	sshll.u32 s26, $0x1;
	_ =	strace $0x80000046;
	[dreg:$0x1] =	wrdreg $0xFFFFFFFF  }
0xa9: {  	s28 =	simm.s32 $_size_execute0_lowered;
	s5 =	sadd.s32 s5, s6;
	[dreg:$0x0] =	wrdreg $0x0  }
0xaa: {  	s6 =	sshll.u32 s28, $0x1;
	[dreg:$0x2] =	wrdreg s5  }
0xab: {  	[dreg:$0x3] =	wrdreg s6  }
0xac: {  	[dreg:$0x4] =	wrdreg $0xC0  }
0xad: {  	_ =	task [dreg:s9], $0x5FFFF  }
0xae: {  	[dreg:$0x1] =	wrdreg $0xFFFFFFFF  }
0xaf: {  	[dreg:$0x0] =	wrdreg $0x60  }
0xb0: {  	[dreg:$0x2] =	wrdreg s19  }
0xb1: {  	[dreg:$0x3] =	wrdreg s2  }
0xb2: {  	[dreg:$0x4] =	wrdreg s4  }
0xb3: {  	[dreg:$0x5] =	wrdreg $0x9  }
0xb4: {  	_ =	task.clear_ibuf [dreg:s9], $0x6FFFF;
	_ =	strace $0x90000046  }
0xb5: {  	s29 =	simm.s32 $0x9;
	_ =	strace $0x80000048  }
0xb6: {  	_ =	swait.ge [sflag:s29], $0x1  }
0xb7: {  	[sflag:s29] =	ssyncadd.s32 $0xFFFFFFFF  }
0xb8: {  	_ =	strace $0x90000048  }
0xb9: {  	_ =	sfence  }
0xba: {  	s30 =	sld [smem:$0x0];
	_ =	sdelay $0x2  }
0xbb: {  	s31 =	sshll.u32 s1, $0xD;
	s1 =	sshrl.u32 s1, $0x2  }
0xbc: {  	s3 =	sand.u32 $0x4000, s31;
	s1 =	sadd.s32 s1, s30  }
0xbd: {  	s0 =	sor.u32 s3, s0;
	s1 =	sshll.u32 s1, $0x11  }
0xbe: {  	s0 =	sor.u32 s1, s0  }
0xbf: {  	s0 =	sadd.s32 $0x8F2B, s0  }
0xc0: {  	[sflag:s0] =	ssyncadd.remote.s32 $0x1  }
0xc1: {  	_ =	sfence.sel $0xFFFF  }
0xc2: {  	[dreg:$0x0] =	wrdreg $0xFFFFFFFF;
	(pc) =	sbr.abs _section_cstart, $3  }
0xc3: {  	[dreg:$0x1] =	wrdreg $0xFFFFFFFF  }
0xc4: {  	_ =	task.clear_ibuf [dreg:s9], $0x2FFFF;
	_ =	strace $0x9FFFFFFF  }
0xc5: {  	(tm) =	ssettm $0x7FFFFFFF  }
tec
execute0_lowered:
.L_overlay_start_1:
0x0: {  	(tag) =	ssettag $0x1  }
0x1: {  	s0 =	srdreg.scid  }
0x2: {  	s3 =	stileid.u32;
	s0 =	sand.u32 $0x1, s0  }
0x3: {  	s1 =	rddreg [dreg:$0x0];
	s5 =	sshll.u32 s3, $0xA;
	s6 =	sshll.u32 s0, $0x9  }
0x4: {  	s2 =	rddreg [dreg:$0x1];
	s5 =	sor.u32 s6, s5  }
0x5: {  	s4 =	rddreg [dreg:$0x2];
	s3 =	simm.s32 $0x0;
	s6 =	sshrl.u32 s5, $0x3  }
0x6: {  	[smem:$0x7FF] =	sst s3;
	s5 =	sshll.u32 s5, $0x7;
	s2 =	sadd.s32 s2, s6  }
0x7: {  	_ =	strace $0x80000047;
	s8 =	sadd.s32 s4, s5;
	[dreg:$0x4] =	wrdreg s2  }
0x8: {  	s21 =	sadd.s32 $0x800, s8;
	[smem:$0x7FC] =	sst s8  }
0x9: {  	s22 =	sadd.s32 $0x1000, s8;
	[dreg:$0x5] =	wrdreg s21  }
0xa: {  	s23 =	sadd.s32 $0x1800, s8;
	[dreg:$0x6] =	wrdreg s22  }
0xb: {  	s24 =	sadd.s32 $0x2000, s8;
	[dreg:$0x7] =	wrdreg s23  }
0xc: {  	s25 =	sadd.s32 $0x2800, s8;
	[dreg:$0x8] =	wrdreg s24  }
0xd: {  	s26 =	sadd.s32 $0x3000, s8;
	[dreg:$0x9] =	wrdreg s25  }
0xe: {  	s28 =	sadd.s32 $0x3800, s8;
	[dreg:$0xa] =	wrdreg s26  }
0xf: {  	s30 =	sadd.s32 $0x4000, s8;
	[dreg:$0xb] =	wrdreg s28  }
0x10: {  	s4 =	sadd.s32 $0x4800, s8;
	[dreg:$0xc] =	wrdreg s30  }
0x11: {  	s5 =	sadd.s32 $0x5000, s8;
	[dreg:$0xd] =	wrdreg s4  }
0x12: {  	s6 =	sadd.s32 $0x5800, s8;
	[dreg:$0xe] =	wrdreg s5  }
0x13: {  	s7 =	sadd.s32 $0x6000, s8;
	[dreg:$0xf] =	wrdreg s6  }
0x14: {  	s9 =	sadd.s32 $0x6800, s8;
	[dreg:$0x10] =	wrdreg s7  }
0x15: {  	s10 =	sadd.s32 $0x7000, s8;
	[dreg:$0x11] =	wrdreg s9  }
0x16: {  	s11 =	sadd.s32 $0x7800, s8;
	[dreg:$0x12] =	wrdreg s10  }
0x17: {  	s12 =	sadd.s32 $0x8000, s8;
	[dreg:$0x13] =	wrdreg s11  }
0x18: {  	s13 =	sadd.s32 $0x8800, s8;
	[dreg:$0x14] =	wrdreg s12  }
0x19: {  	s14 =	sadd.s32 $0x9000, s8;
	[dreg:$0x15] =	wrdreg s13  }
0x1a: {  	s15 =	sadd.s32 $0x9800, s8;
	[dreg:$0x16] =	wrdreg s14  }
0x1b: {  	s16 =	sadd.s32 $0xA000, s8;
	[dreg:$0x17] =	wrdreg s15  }
0x1c: {  	s17 =	sadd.s32 $0xA800, s8;
	[dreg:$0x18] =	wrdreg s16  }
0x1d: {  	s18 =	sadd.s32 $0xB000, s8;
	[dreg:$0x19] =	wrdreg s17  }
0x1e: {  	s19 =	sadd.s32 $0xB800, s8;
	[dreg:$0x1a] =	wrdreg s18  }
0x1f: {  	s29 =	simm.s32 $0x2;
	s20 =	sadd.s32 $0xC000, s8;
	[dreg:$0x1b] =	wrdreg s19  }
0x20: {  	s31 =	simm.s32 $0x8;
	s0 =	ssub.s32 $0x2, s0;
	[dreg:$0x1c] =	wrdreg s20  }
0x21: {  	s21 =	sadd.s32 $0xC800, s8;
	s22 =	sadd.s32 $0xD000, s8;
	s23 =	sshrl.u32 s0, $0x1  }
0x22: {  	s24 =	sadd.s32 $0xD800, s8;
	s25 =	sadd.s32 $0xE000, s8;
	s5 =	sadd.s32 $0x100, s1  }
0x23: {  	s26 =	sadd.s32 $0xE800, s8;
	s6 =	sadd.s32 $0x200, s1;
	s28 =	sadd.s32 $0xF000, s8  }
0x24: {  	s7 =	sadd.s32 $0x300, s1;
	s30 =	sadd.s32 $0xF800, s8;
	[dreg:$0x1d] =	wrdreg s21  }
0x25: {  	s9 =	simm.s32 $0x7;
	s18 =	simm.s32 $0x3;
	[dreg:$0x1e] =	wrdreg s22  }
0x26: {  	s11 =	simm.s32 $0x9;
	s12 =	simm.s32 $0x4;
	[dreg:$0x1f] =	wrdreg s24  }
0x27: {  	s13 =	simm.s32 $0xA;
	s14 =	simm.s32 $0x5;
	[smem:$0x7F9] =	sst s25  }
0x28: {  	v2 =	vlaneseq.u32;
	s15 =	simm.s32 $0xB;
	s16 =	simm.s32 $0x6;
	[smem:$0x7FA] =	sst s26  }
0x29: {  	vm0 =	vmmov $0xffff;
	v1 =	vshrl.u32 v2, $0x3;
	s17 =	simm.s32 $0xC;
	s0 =	ssub.s32 s0, s23;
	[smem:$0x7FB] =	sst s28  }
0x2a: {  	v0 =	vand.u32 $0x7, v2;
	v2 =	vor.u32 $0x8, v2;
	v1 =	vmul.u32 $0x8, v1;
	[smem:$0x7FD] =	sst s30;
	s4 =	smax.u32 s0, $0x1;
	s0 =	simm.s32 $0x1  }
.LBB2_1:
0x2b: {  	[smem:$0x7F8] =	sst s4  }
0x2c: {  	s19 =	rddreg [dreg:$0x4];
	s4 =	simm.s32 $0xD  }
0x2d: {  	[tilespmem:s3], [sflag:$0xD] =	stream.linear.gather [hbm4b:s19+s3], $0x200, $0x38;
	[tilespmem:$0x18200] =	vst v63  }
0x2e: {  	_ =	swait.ge [sflag:s4], $0x200  }
0x2f: {  	[sflag:s4] =	ssyncset.done $0x0  }
0x30: {  	[sflag:s4] =	ssyncadd.s32 $0xFFFFFE00  }
0x31: {  	v3 =	vld [tilespmem:$0x0];
	_ =	sdelay $0x4  }
0x32: {  	v4 =	vshll.u32 v3, $0x3  }
0x33: {  	v3 =	vand.u32 $0x7, v3;
	v4 =	vand.u32 $0xFFFFFFC0, v4  }
0x34: {  	v3 =	vor.u32 v3, v4  }
0x35: {  	v4 =	vperm.xlane v3, v0;
	_ =	sdelay $0x1  }
0x36: {  	v4 =	vadd.s32 v1, v4;
	_ =	sdelay $0x3  }
0x37: {  	s8 =	simm.s32 $0x200  }
0x38: {  	[tilespmem:s8], [sflag:$0x1] =	stream.indirect_vreg.gather [hbm4b:s1+s3], $0x80, v4, vm0, $0xb8;
	[tilespmem:$0x18200] =	vst v63  }
0x39: {  	s10 =	simm.s32 $0xA00;
	v3 =	vperm.xlane v3, v2  }
0x3a: {  	[tilespmem:s10], [sflag:$0x1] =	stream.indirect_vreg.gather [hbm4b:s5+s3], $0x80, v4, vm0, $0xb8;
	[tilespmem:$0x18200] =	vst v63  }
0x3b: {  	s19 =	simm.s32 $0x1200;
	v3 =	vadd.s32 v1, v3  }
0x3c: {  	[tilespmem:s19], [sflag:$0x1] =	stream.indirect_vreg.gather [hbm4b:s6+s3], $0x80, v4, vm0, $0xb8;
	[tilespmem:$0x18200] =	vst v63  }
0x3d: {  	s20 =	simm.s32 $0x1A00  }
0x3e: {  	[tilespmem:s20], [sflag:$0x1] =	stream.indirect_vreg.gather [hbm4b:s7+s3], $0x80, v4, vm0, $0xb8;
	[tilespmem:$0x18200] =	vst v63  }
0x3f: {  	s22 =	simm.s32 $0x2200  }
0x40: {  	[tilespmem:s22], [sflag:$0x1] =	stream.indirect_vreg.gather [hbm4b:s1+s3], $0x80, v3, vm0, $0xb8;
	[tilespmem:$0x18200] =	vst v63  }
0x41: {  	s23 =	simm.s32 $0x2A00  }
0x42: {  	[tilespmem:s23], [sflag:$0x1] =	stream.indirect_vreg.gather [hbm4b:s5+s3], $0x80, v3, vm0, $0xb8;
	[tilespmem:$0x18200] =	vst v63  }
0x43: {  	s26 =	simm.s32 $0x3200  }
0x44: {  	[tilespmem:s26], [sflag:$0x1] =	stream.indirect_vreg.gather [hbm4b:s6+s3], $0x80, v3, vm0, $0xb8;
	[tilespmem:$0x18200] =	vst v63  }
0x45: {  	s28 =	simm.s32 $0x3A00  }
0x46: {  	[tilespmem:s28], [sflag:$0x1] =	stream.indirect_vreg.gather [hbm4b:s7+s3], $0x80, v3, vm0, $0xb8;
	[tilespmem:$0x18200] =	vst v63  }
0x47: {  	v3 =	vld [tilespmem:$0x10];
	_ =	sdelay $0x4  }
0x48: {  	v33 =	vshll.u32 v3, $0x3  }
0x49: {  	v3 =	vand.u32 $0x7, v3;
	v4 =	vand.u32 $0xFFFFFFC0, v33  }
0x4a: {  	v3 =	vor.u32 v3, v4  }
0x4b: {  	v4 =	vperm.xlane v3, v0;
	_ =	sdelay $0x1  }
0x4c: {  	v4 =	vadd.s32 v1, v4;
	_ =	sdelay $0x3  }
0x4d: {  	s30 =	simm.s32 $0x4200  }
0x4e: {  	[tilespmem:s30], [sflag:$0x2] =	stream.indirect_vreg.gather [hbm4b:s1+s3], $0x80, v4, vm0, $0xb8;
	[tilespmem:$0x18200] =	vst v63  }
0x4f: {  	s2 =	simm.s32 $0x4A00;
	v3 =	vperm.xlane v3, v2  }
0x50: {  	[tilespmem:s2], [sflag:$0x2] =	stream.indirect_vreg.gather [hbm4b:s5+s3], $0x80, v4, vm0, $0xb8;
	[tilespmem:$0x18200] =	vst v63  }
0x51: {  	s4 =	simm.s32 $0x5200;
	v3 =	vadd.s32 v1, v3  }
0x52: {  	[tilespmem:s4], [sflag:$0x2] =	stream.indirect_vreg.gather [hbm4b:s6+s3], $0x80, v4, vm0, $0xb8;
	[tilespmem:$0x18200] =	vst v63  }
0x53: {  	s10 =	simm.s32 $0x5A00  }
0x54: {  	[tilespmem:s10], [sflag:$0x2] =	stream.indirect_vreg.gather [hbm4b:s7+s3], $0x80, v4, vm0, $0xb8;
	[tilespmem:$0x18200] =	vst v63  }
0x55: {  	s20 =	simm.s32 $0x6200  }
0x56: {  	[tilespmem:s20], [sflag:$0x2] =	stream.indirect_vreg.gather [hbm4b:s1+s3], $0x80, v3, vm0, $0xb8;
	[tilespmem:$0x18200] =	vst v63  }
0x57: {  	s22 =	simm.s32 $0x6A00  }
0x58: {  	[tilespmem:s22], [sflag:$0x2] =	stream.indirect_vreg.gather [hbm4b:s5+s3], $0x80, v3, vm0, $0xb8;
	[tilespmem:$0x18200] =	vst v63  }
0x59: {  	s28 =	simm.s32 $0x7200  }
0x5a: {  	[tilespmem:s28], [sflag:$0x2] =	stream.indirect_vreg.gather [hbm4b:s6+s3], $0x80, v3, vm0, $0xb8;
	[tilespmem:$0x18200] =	vst v63  }
0x5b: {  	s30 =	simm.s32 $0x7A00  }
0x5c: {  	[tilespmem:s30], [sflag:$0x2] =	stream.indirect_vreg.gather [hbm4b:s7+s3], $0x80, v3, vm0, $0xb8;
	[tilespmem:$0x18200] =	vst v63  }
0x5d: {  	v3 =	vld [tilespmem:$0x20];
	_ =	sdelay $0x4  }
0x5e: {  	v34 =	vshll.u32 v3, $0x3  }
0x5f: {  	v3 =	vand.u32 $0x7, v3;
	v4 =	vand.u32 $0xFFFFFFC0, v34  }
0x60: {  	v3 =	vor.u32 v3, v4  }
0x61: {  	v4 =	vperm.xlane v3, v0;
	_ =	sdelay $0x1  }
0x62: {  	v4 =	vadd.s32 v1, v4;
	_ =	sdelay $0x3  }
0x63: {  	s10 =	simm.s32 $0x8200  }
0x64: {  	[tilespmem:s10], [sflag:$0x3] =	stream.indirect_vreg.gather [hbm4b:s1+s3], $0x80, v4, vm0, $0xb8;
	[tilespmem:$0x18200] =	vst v63  }
0x65: {  	s2 =	simm.s32 $0x8A00;
	v3 =	vperm.xlane v3, v2  }
0x66: {  	[tilespmem:s2], [sflag:$0x3] =	stream.indirect_vreg.gather [hbm4b:s5+s3], $0x80, v4, vm0, $0xb8;
	[tilespmem:$0x18200] =	vst v63  }
0x67: {  	v3 =	vadd.s32 v1, v3;
	s10 =	simm.s32 $0x9200  }
0x68: {  	[tilespmem:s10], [sflag:$0x3] =	stream.indirect_vreg.gather [hbm4b:s6+s3], $0x80, v4, vm0, $0xb8;
	[tilespmem:$0x18200] =	vst v63  }
0x69: {  	s19 =	simm.s32 $0x9A00  }
0x6a: {  	[tilespmem:s19], [sflag:$0x3] =	stream.indirect_vreg.gather [hbm4b:s7+s3], $0x80, v4, vm0, $0xb8;
	[tilespmem:$0x18200] =	vst v63  }
0x6b: {  	s20 =	simm.s32 $0xA200  }
0x6c: {  	[tilespmem:s20], [sflag:$0x3] =	stream.indirect_vreg.gather [hbm4b:s1+s3], $0x80, v3, vm0, $0xb8;
	[tilespmem:$0x18200] =	vst v63  }
0x6d: {  	s22 =	simm.s32 $0xAA00  }
0x6e: {  	[tilespmem:s22], [sflag:$0x3] =	stream.indirect_vreg.gather [hbm4b:s5+s3], $0x80, v3, vm0, $0xb8;
	[tilespmem:$0x18200] =	vst v63  }
0x6f: {  	s10 =	simm.s32 $0xB200  }
0x70: {  	[tilespmem:s10], [sflag:$0x3] =	stream.indirect_vreg.gather [hbm4b:s6+s3], $0x80, v3, vm0, $0xb8;
	[tilespmem:$0x18200] =	vst v63  }
0x71: {  	s19 =	simm.s32 $0xBA00  }
0x72: {  	[tilespmem:s19], [sflag:$0x3] =	stream.indirect_vreg.gather [hbm4b:s7+s3], $0x80, v3, vm0, $0xb8;
	[tilespmem:$0x18200] =	vst v63  }
0x73: {  	v3 =	vld [tilespmem:$0x30];
	_ =	sdelay $0x4  }
0x74: {  	v35 =	vshll.u32 v3, $0x3  }
0x75: {  	v3 =	vand.u32 $0x7, v3;
	v4 =	vand.u32 $0xFFFFFFC0, v35  }
0x76: {  	v3 =	vor.u32 v3, v4  }
0x77: {  	v4 =	vperm.xlane v3, v0;
	_ =	sdelay $0x1  }
0x78: {  	v4 =	vadd.s32 v1, v4;
	_ =	sdelay $0x3  }
0x79: {  	s22 =	simm.s32 $0xC200  }
0x7a: {  	[tilespmem:s22], [sflag:$0x4] =	stream.indirect_vreg.gather [hbm4b:s1+s3], $0x80, v4, vm0, $0xb8;
	[tilespmem:$0x18200] =	vst v63  }
0x7b: {  	s4 =	simm.s32 $0xCA00;
	v3 =	vperm.xlane v3, v2  }
0x7c: {  	[tilespmem:s4], [sflag:$0x4] =	stream.indirect_vreg.gather [hbm4b:s5+s3], $0x80, v4, vm0, $0xb8;
	[tilespmem:$0x18200] =	vst v63  }
0x7d: {  	s19 =	simm.s32 $0xD200;
	v3 =	vadd.s32 v1, v3  }
0x7e: {  	[tilespmem:s19], [sflag:$0x4] =	stream.indirect_vreg.gather [hbm4b:s6+s3], $0x80, v4, vm0, $0xb8;
	[tilespmem:$0x18200] =	vst v63  }
0x7f: {  	s4 =	simm.s32 $0xDA00  }
0x80: {  	[tilespmem:s4], [sflag:$0x4] =	stream.indirect_vreg.gather [hbm4b:s7+s3], $0x80, v4, vm0, $0xb8;
	[tilespmem:$0x18200] =	vst v63  }
0x81: {  	s19 =	simm.s32 $0xE200  }
0x82: {  	[tilespmem:s19], [sflag:$0x4] =	stream.indirect_vreg.gather [hbm4b:s1+s3], $0x80, v3, vm0, $0xb8;
	[tilespmem:$0x18200] =	vst v63  }
0x83: {  	s4 =	simm.s32 $0xEA00  }
0x84: {  	[tilespmem:s4], [sflag:$0x4] =	stream.indirect_vreg.gather [hbm4b:s5+s3], $0x80, v3, vm0, $0xb8;
	[tilespmem:$0x18200] =	vst v63  }
0x85: {  	s19 =	simm.s32 $0xF200  }
0x86: {  	[tilespmem:s19], [sflag:$0x4] =	stream.indirect_vreg.gather [hbm4b:s6+s3], $0x80, v3, vm0, $0xb8;
	[tilespmem:$0x18200] =	vst v63  }
0x87: {  	s4 =	simm.s32 $0xFA00  }
0x88: {  	[tilespmem:s4], [sflag:$0x4] =	stream.indirect_vreg.gather [hbm4b:s7+s3], $0x80, v3, vm0, $0xb8;
	[tilespmem:$0x18200] =	vst v63  }
0x89: {  	v3 =	vld [tilespmem:$0x40];
	_ =	sdelay $0x4  }
0x8a: {  	v36 =	vshll.u32 v3, $0x3  }
0x8b: {  	v3 =	vand.u32 $0x7, v3;
	v4 =	vand.u32 $0xFFFFFFC0, v36  }
0x8c: {  	v3 =	vor.u32 v3, v4  }
0x8d: {  	v4 =	vperm.xlane v3, v0;
	_ =	sdelay $0x1  }
0x8e: {  	v4 =	vadd.s32 v1, v4;
	_ =	sdelay $0x3  }
0x8f: {  	s19 =	simm.s32 $0x10200  }
0x90: {  	[tilespmem:s19], [sflag:$0x5] =	stream.indirect_vreg.gather [hbm4b:s1+s3], $0x80, v4, vm0, $0xb8;
	[tilespmem:$0x18200] =	vst v63  }
0x91: {  	s4 =	simm.s32 $0x10A00;
	v3 =	vperm.xlane v3, v2  }
0x92: {  	[tilespmem:s4], [sflag:$0x5] =	stream.indirect_vreg.gather [hbm4b:s5+s3], $0x80, v4, vm0, $0xb8;
	[tilespmem:$0x18200] =	vst v63  }
0x93: {  	v3 =	vadd.s32 v1, v3;
	s19 =	simm.s32 $0x11200  }
0x94: {  	[tilespmem:s19], [sflag:$0x5] =	stream.indirect_vreg.gather [hbm4b:s6+s3], $0x80, v4, vm0, $0xb8;
	[tilespmem:$0x18200] =	vst v63  }
0x95: {  	s4 =	simm.s32 $0x11A00  }
0x96: {  	[tilespmem:s4], [sflag:$0x5] =	stream.indirect_vreg.gather [hbm4b:s7+s3], $0x80, v4, vm0, $0xb8;
	[tilespmem:$0x18200] =	vst v63  }
0x97: {  	s19 =	simm.s32 $0x12200  }
0x98: {  	[tilespmem:s19], [sflag:$0x5] =	stream.indirect_vreg.gather [hbm4b:s1+s3], $0x80, v3, vm0, $0xb8;
	[tilespmem:$0x18200] =	vst v63  }
0x99: {  	s4 =	simm.s32 $0x12A00  }
0x9a: {  	[tilespmem:s4], [sflag:$0x5] =	stream.indirect_vreg.gather [hbm4b:s5+s3], $0x80, v3, vm0, $0xb8;
	[tilespmem:$0x18200] =	vst v63  }
0x9b: {  	s19 =	simm.s32 $0x13200  }
0x9c: {  	[tilespmem:s19], [sflag:$0x5] =	stream.indirect_vreg.gather [hbm4b:s6+s3], $0x80, v3, vm0, $0xb8;
	[tilespmem:$0x18200] =	vst v63  }
0x9d: {  	s4 =	simm.s32 $0x13A00  }
0x9e: {  	[tilespmem:s4], [sflag:$0x5] =	stream.indirect_vreg.gather [hbm4b:s7+s3], $0x80, v3, vm0, $0xb8;
	[tilespmem:$0x18200] =	vst v63  }
0x9f: {  	v3 =	vld [tilespmem:$0x50];
	_ =	sdelay $0x4  }
0xa0: {  	v37 =	vshll.u32 v3, $0x3  }
0xa1: {  	v3 =	vand.u32 $0x7, v3;
	v4 =	vand.u32 $0xFFFFFFC0, v37  }
0xa2: {  	v3 =	vor.u32 v3, v4  }
0xa3: {  	v4 =	vperm.xlane v3, v0;
	_ =	sdelay $0x1  }
0xa4: {  	v4 =	vadd.s32 v1, v4;
	_ =	sdelay $0x3  }
0xa5: {  	s19 =	simm.s32 $0x14200  }
0xa6: {  	[tilespmem:s19], [sflag:$0x6] =	stream.indirect_vreg.gather [hbm4b:s1+s3], $0x80, v4, vm0, $0xb8;
	[tilespmem:$0x18200] =	vst v63  }
0xa7: {  	s10 =	simm.s32 $0x14A00;
	v3 =	vperm.xlane v3, v2  }
0xa8: {  	[tilespmem:s10], [sflag:$0x6] =	stream.indirect_vreg.gather [hbm4b:s5+s3], $0x80, v4, vm0, $0xb8;
	[tilespmem:$0x18200] =	vst v63  }
0xa9: {  	s4 =	simm.s32 $0x15200;
	v3 =	vadd.s32 v1, v3  }
0xaa: {  	[tilespmem:s4], [sflag:$0x6] =	stream.indirect_vreg.gather [hbm4b:s6+s3], $0x80, v4, vm0, $0xb8;
	[tilespmem:$0x18200] =	vst v63  }
0xab: {  	s10 =	simm.s32 $0x15A00  }
0xac: {  	[tilespmem:s10], [sflag:$0x6] =	stream.indirect_vreg.gather [hbm4b:s7+s3], $0x80, v4, vm0, $0xb8;
	[tilespmem:$0x18200] =	vst v63  }
0xad: {  	s4 =	simm.s32 $0x16200  }
0xae: {  	[tilespmem:s4], [sflag:$0x6] =	stream.indirect_vreg.gather [hbm4b:s1+s3], $0x80, v3, vm0, $0xb8;
	[tilespmem:$0x18200] =	vst v63  }
0xaf: {  	s10 =	simm.s32 $0x16A00  }
0xb0: {  	[tilespmem:s10], [sflag:$0x6] =	stream.indirect_vreg.gather [hbm4b:s5+s3], $0x80, v3, vm0, $0xb8;
	[tilespmem:$0x18200] =	vst v63  }
0xb1: {  	s4 =	simm.s32 $0x17200  }
0xb2: {  	[tilespmem:s4], [sflag:$0x6] =	stream.indirect_vreg.gather [hbm4b:s6+s3], $0x80, v3, vm0, $0xb8;
	[tilespmem:$0x18200] =	vst v63  }
0xb3: {  	s10 =	simm.s32 $0x17A00  }
0xb4: {  	[tilespmem:s10], [sflag:$0x6] =	stream.indirect_vreg.gather [hbm4b:s7+s3], $0x80, v3, vm0, $0xb8;
	[tilespmem:$0x18200] =	vst v63  }
0xb5: {  	_ =	swait.ge [sflag:s0], $0x4000  }
0xb6: {  	s4 =	sld [smem:$0x7FC]  }
0xb7: {  	[sflag:s0] =	ssyncset.done $0x0  }
0xb8: {  	s10 =	simm.s32 $0x200;
	[sflag:s0] =	ssyncadd.s32 $0xFFFFC000  }
0xb9: {  	[hbm4b:s4+s3] =	stream.linear.scatter [tilespmem:s10], [sflag:$0x7], $0x4000, $0x38;
	[tilespmem:$0x18200] =	vst v63  }
0xba: {  	_ =	swait.ge [sflag:s9], $0x4000  }
0xbb: {  	[sflag:s9] =	ssyncset.done $0x0  }
0xbc: {  	[sflag:s9] =	ssyncadd.s32 $0xFFFFC000  }
0xbd: {  	v3 =	vld [tilespmem:$0x60];
	_ =	sdelay $0x4  }
0xbe: {  	v38 =	vshll.u32 v3, $0x3  }
0xbf: {  	v3 =	vand.u32 $0x7, v3;
	v4 =	vand.u32 $0xFFFFFFC0, v38  }
0xc0: {  	v3 =	vor.u32 v3, v4  }
0xc1: {  	v4 =	vperm.xlane v3, v0;
	_ =	sdelay $0x1  }
0xc2: {  	v4 =	vadd.s32 v1, v4;
	_ =	sdelay $0x4  }
0xc3: {  	[tilespmem:s10], [sflag:$0x1] =	stream.indirect_vreg.gather [hbm4b:s1+s3], $0x80, v4, vm0, $0xb8;
	[tilespmem:$0x18200] =	vst v63  }
0xc4: {  	s21 =	simm.s32 $0xA00;
	v3 =	vperm.xlane v3, v2  }
0xc5: {  	[tilespmem:s21], [sflag:$0x1] =	stream.indirect_vreg.gather [hbm4b:s5+s3], $0x80, v4, vm0, $0xb8;
	[tilespmem:$0x18200] =	vst v63  }
0xc6: {  	s24 =	simm.s32 $0x1200;
	v3 =	vadd.s32 v1, v3  }
0xc7: {  	[tilespmem:s24], [sflag:$0x1] =	stream.indirect_vreg.gather [hbm4b:s6+s3], $0x80, v4, vm0, $0xb8;
	[tilespmem:$0x18200] =	vst v63  }
0xc8: {  	s25 =	simm.s32 $0x1A00  }
0xc9: {  	[tilespmem:s25], [sflag:$0x1] =	stream.indirect_vreg.gather [hbm4b:s7+s3], $0x80, v4, vm0, $0xb8;
	[tilespmem:$0x18200] =	vst v63  }
0xca: {  	s19 =	simm.s32 $0x2200  }
0xcb: {  	[tilespmem:s19], [sflag:$0x1] =	stream.indirect_vreg.gather [hbm4b:s1+s3], $0x80, v3, vm0, $0xb8;
	[tilespmem:$0x18200] =	vst v63  }
0xcc: {  	s8 =	simm.s32 $0x2A00  }
0xcd: {  	[tilespmem:s8], [sflag:$0x1] =	stream.indirect_vreg.gather [hbm4b:s5+s3], $0x80, v3, vm0, $0xb8;
	[tilespmem:$0x18200] =	vst v63  }
0xce: {  	s23 =	simm.s32 $0x3200  }
0xcf: {  	[tilespmem:s23], [sflag:$0x1] =	stream.indirect_vreg.gather [hbm4b:s6+s3], $0x80, v3, vm0, $0xb8;
	[tilespmem:$0x18200] =	vst v63  }
0xd0: {  	s26 =	simm.s32 $0x3A00  }
0xd1: {  	[tilespmem:s26], [sflag:$0x1] =	stream.indirect_vreg.gather [hbm4b:s7+s3], $0x80, v3, vm0, $0xb8;
	[tilespmem:$0x18200] =	vst v63  }
0xd2: {  	_ =	swait.ge [sflag:s29], $0x4000  }
0xd3: {  	[sflag:s29] =	ssyncset.done $0x0  }
0xd4: {  	s23 =	simm.s32 $0x4200;
	s21 =	rddreg [dreg:$0x5];
	[sflag:s29] =	ssyncadd.s32 $0xFFFFC000  }
0xd5: {  	[hbm4b:s21+s3] =	stream.linear.scatter [tilespmem:s23], [sflag:$0x8], $0x4000, $0x38;
	[tilespmem:$0x18200] =	vst v63  }
0xd6: {  	_ =	swait.ge [sflag:s31], $0x4000  }
0xd7: {  	[sflag:s31] =	ssyncset.done $0x0  }
0xd8: {  	[sflag:s31] =	ssyncadd.s32 $0xFFFFC000  }
0xd9: {  	v3 =	vld [tilespmem:$0x70];
	_ =	sdelay $0x4  }
0xda: {  	v39 =	vshll.u32 v3, $0x3  }
0xdb: {  	v3 =	vand.u32 $0x7, v3;
	v4 =	vand.u32 $0xFFFFFFC0, v39  }
0xdc: {  	v3 =	vor.u32 v3, v4  }
0xdd: {  	v4 =	vperm.xlane v3, v0;
	_ =	sdelay $0x1  }
0xde: {  	v4 =	vadd.s32 v1, v4;
	_ =	sdelay $0x4  }
0xdf: {  	[tilespmem:s23], [sflag:$0x2] =	stream.indirect_vreg.gather [hbm4b:s1+s3], $0x80, v4, vm0, $0xb8;
	[tilespmem:$0x18200] =	vst v63  }
0xe0: {  	s24 =	simm.s32 $0x4A00;
	v3 =	vperm.xlane v3, v2  }
0xe1: {  	[tilespmem:s24], [sflag:$0x2] =	stream.indirect_vreg.gather [hbm4b:s5+s3], $0x80, v4, vm0, $0xb8;
	[tilespmem:$0x18200] =	vst v63  }
0xe2: {  	s25 =	simm.s32 $0x5200;
	v3 =	vadd.s32 v1, v3  }
0xe3: {  	[tilespmem:s25], [sflag:$0x2] =	stream.indirect_vreg.gather [hbm4b:s6+s3], $0x80, v4, vm0, $0xb8;
	[tilespmem:$0x18200] =	vst v63  }
0xe4: {  	s26 =	simm.s32 $0x5A00  }
0xe5: {  	[tilespmem:s26], [sflag:$0x2] =	stream.indirect_vreg.gather [hbm4b:s7+s3], $0x80, v4, vm0, $0xb8;
	[tilespmem:$0x18200] =	vst v63  }
0xe6: {  	s8 =	simm.s32 $0x6200  }
0xe7: {  	[tilespmem:s8], [sflag:$0x2] =	stream.indirect_vreg.gather [hbm4b:s1+s3], $0x80, v3, vm0, $0xb8;
	[tilespmem:$0x18200] =	vst v63  }
0xe8: {  	s10 =	simm.s32 $0x6A00  }
0xe9: {  	[tilespmem:s10], [sflag:$0x2] =	stream.indirect_vreg.gather [hbm4b:s5+s3], $0x80, v3, vm0, $0xb8;
	[tilespmem:$0x18200] =	vst v63  }
0xea: {  	s19 =	simm.s32 $0x7200  }
0xeb: {  	[tilespmem:s19], [sflag:$0x2] =	stream.indirect_vreg.gather [hbm4b:s6+s3], $0x80, v3, vm0, $0xb8;
	[tilespmem:$0x18200] =	vst v63  }
0xec: {  	s21 =	simm.s32 $0x7A00  }
0xed: {  	[tilespmem:s21], [sflag:$0x2] =	stream.indirect_vreg.gather [hbm4b:s7+s3], $0x80, v3, vm0, $0xb8;
	[tilespmem:$0x18200] =	vst v63  }
0xee: {  	_ =	swait.ge [sflag:s18], $0x4000  }
0xef: {  	[sflag:s18] =	ssyncset.done $0x0  }
0xf0: {  	s25 =	simm.s32 $0x8200;
	s24 =	rddreg [dreg:$0x6];
	[sflag:s18] =	ssyncadd.s32 $0xFFFFC000  }
0xf1: {  	[hbm4b:s24+s3] =	stream.linear.scatter [tilespmem:s25], [sflag:$0x9], $0x4000, $0x38;
	[tilespmem:$0x18200] =	vst v63  }
0xf2: {  	_ =	swait.ge [sflag:s11], $0x4000  }
0xf3: {  	[sflag:s11] =	ssyncset.done $0x0  }
0xf4: {  	[sflag:s11] =	ssyncadd.s32 $0xFFFFC000  }
0xf5: {  	v3 =	vld [tilespmem:$0x80];
	_ =	sdelay $0x4  }
0xf6: {  	v40 =	vshll.u32 v3, $0x3  }
0xf7: {  	v3 =	vand.u32 $0x7, v3;
	v4 =	vand.u32 $0xFFFFFFC0, v40  }
0xf8: {  	v3 =	vor.u32 v3, v4  }
0xf9: {  	v4 =	vperm.xlane v3, v0;
	_ =	sdelay $0x1  }
0xfa: {  	v4 =	vadd.s32 v1, v4;
	_ =	sdelay $0x4  }
0xfb: {  	[tilespmem:s25], [sflag:$0x3] =	stream.indirect_vreg.gather [hbm4b:s1+s3], $0x80, v4, vm0, $0xb8;
	[tilespmem:$0x18200] =	vst v63  }
0xfc: {  	s26 =	simm.s32 $0x8A00;
	v3 =	vperm.xlane v3, v2  }
0xfd: {  	[tilespmem:s26], [sflag:$0x3] =	stream.indirect_vreg.gather [hbm4b:s5+s3], $0x80, v4, vm0, $0xb8;
	[tilespmem:$0x18200] =	vst v63  }
0xfe: {  	s2 =	simm.s32 $0x9200;
	v3 =	vadd.s32 v1, v3  }
0xff: {  	[tilespmem:s2], [sflag:$0x3] =	stream.indirect_vreg.gather [hbm4b:s6+s3], $0x80, v4, vm0, $0xb8;
	[tilespmem:$0x18200] =	vst v63  }
0x100: {  	s28 =	simm.s32 $0x9A00  }
0x101: {  	[tilespmem:s28], [sflag:$0x3] =	stream.indirect_vreg.gather [hbm4b:s7+s3], $0x80, v4, vm0, $0xb8;
	[tilespmem:$0x18200] =	vst v63  }
0x102: {  	s30 =	simm.s32 $0xA200  }
0x103: {  	[tilespmem:s30], [sflag:$0x3] =	stream.indirect_vreg.gather [hbm4b:s1+s3], $0x80, v3, vm0, $0xb8;
	[tilespmem:$0x18200] =	vst v63  }
0x104: {  	s4 =	simm.s32 $0xAA00  }
0x105: {  	[tilespmem:s4], [sflag:$0x3] =	stream.indirect_vreg.gather [hbm4b:s5+s3], $0x80, v3, vm0, $0xb8;
	[tilespmem:$0x18200] =	vst v63  }
0x106: {  	s20 =	simm.s32 $0xB200  }
0x107: {  	[tilespmem:s20], [sflag:$0x3] =	stream.indirect_vreg.gather [hbm4b:s6+s3], $0x80, v3, vm0, $0xb8;
	[tilespmem:$0x18200] =	vst v63  }
0x108: {  	s8 =	simm.s32 $0xBA00  }
0x109: {  	[tilespmem:s8], [sflag:$0x3] =	stream.indirect_vreg.gather [hbm4b:s7+s3], $0x80, v3, vm0, $0xb8;
	[tilespmem:$0x18200] =	vst v63  }
0x10a: {  	_ =	swait.ge [sflag:s12], $0x4000  }
0x10b: {  	[sflag:s12] =	ssyncset.done $0x0  }
0x10c: {  	s10 =	simm.s32 $0xC200;
	s2 =	rddreg [dreg:$0x7];
	[sflag:s12] =	ssyncadd.s32 $0xFFFFC000  }
0x10d: {  	[hbm4b:s2+s3] =	stream.linear.scatter [tilespmem:s10], [sflag:$0xA], $0x4000, $0x38;
	[tilespmem:$0x18200] =	vst v63  }
0x10e: {  	_ =	swait.ge [sflag:s13], $0x4000  }
0x10f: {  	[sflag:s13] =	ssyncset.done $0x0  }
0x110: {  	[sflag:s13] =	ssyncadd.s32 $0xFFFFC000  }
0x111: {  	v3 =	vld [tilespmem:$0x90];
	_ =	sdelay $0x4  }
0x112: {  	v41 =	vshll.u32 v3, $0x3  }
0x113: {  	v3 =	vand.u32 $0x7, v3;
	v4 =	vand.u32 $0xFFFFFFC0, v41  }
0x114: {  	v3 =	vor.u32 v3, v4  }
0x115: {  	v4 =	vperm.xlane v3, v0;
	_ =	sdelay $0x1  }
0x116: {  	v4 =	vadd.s32 v1, v4;
	_ =	sdelay $0x4  }
0x117: {  	[tilespmem:s10], [sflag:$0x4] =	stream.indirect_vreg.gather [hbm4b:s1+s3], $0x80, v4, vm0, $0xb8;
	[tilespmem:$0x18200] =	vst v63  }
0x118: {  	s22 =	simm.s32 $0xCA00;
	v3 =	vperm.xlane v3, v2  }
0x119: {  	[tilespmem:s22], [sflag:$0x4] =	stream.indirect_vreg.gather [hbm4b:s5+s3], $0x80, v4, vm0, $0xb8;
	[tilespmem:$0x18200] =	vst v63  }
0x11a: {  	v3 =	vadd.s32 v1, v3;
	s22 =	simm.s32 $0xD200  }
0x11b: {  	[tilespmem:s22], [sflag:$0x4] =	stream.indirect_vreg.gather [hbm4b:s6+s3], $0x80, v4, vm0, $0xb8;
	[tilespmem:$0x18200] =	vst v63  }
0x11c: {  	s28 =	simm.s32 $0xDA00  }
0x11d: {  	[tilespmem:s28], [sflag:$0x4] =	stream.indirect_vreg.gather [hbm4b:s7+s3], $0x80, v4, vm0, $0xb8;
	[tilespmem:$0x18200] =	vst v63  }
0x11e: {  	s30 =	simm.s32 $0xE200  }
0x11f: {  	[tilespmem:s30], [sflag:$0x4] =	stream.indirect_vreg.gather [hbm4b:s1+s3], $0x80, v3, vm0, $0xb8;
	[tilespmem:$0x18200] =	vst v63  }
0x120: {  	s20 =	simm.s32 $0xEA00  }
0x121: {  	[tilespmem:s20], [sflag:$0x4] =	stream.indirect_vreg.gather [hbm4b:s5+s3], $0x80, v3, vm0, $0xb8;
	[tilespmem:$0x18200] =	vst v63  }
0x122: {  	s10 =	simm.s32 $0xF200  }
0x123: {  	[tilespmem:s10], [sflag:$0x4] =	stream.indirect_vreg.gather [hbm4b:s6+s3], $0x80, v3, vm0, $0xb8;
	[tilespmem:$0x18200] =	vst v63  }
0x124: {  	s19 =	simm.s32 $0xFA00  }
0x125: {  	[tilespmem:s19], [sflag:$0x4] =	stream.indirect_vreg.gather [hbm4b:s7+s3], $0x80, v3, vm0, $0xb8;
	[tilespmem:$0x18200] =	vst v63  }
0x126: {  	_ =	swait.ge [sflag:s14], $0x4000  }
0x127: {  	[sflag:s14] =	ssyncset.done $0x0  }
0x128: {  	s24 =	simm.s32 $0x10200;
	s21 =	rddreg [dreg:$0x8];
	[sflag:s14] =	ssyncadd.s32 $0xFFFFC000  }
0x129: {  	[hbm4b:s21+s3] =	stream.linear.scatter [tilespmem:s24], [sflag:$0xB], $0x4000, $0x38;
	[tilespmem:$0x18200] =	vst v63  }
0x12a: {  	_ =	swait.ge [sflag:s15], $0x4000  }
0x12b: {  	[sflag:s15] =	ssyncset.done $0x0  }
0x12c: {  	[sflag:s15] =	ssyncadd.s32 $0xFFFFC000  }
0x12d: {  	v3 =	vld [tilespmem:$0xA0];
	_ =	sdelay $0x4  }
0x12e: {  	v42 =	vshll.u32 v3, $0x3  }
0x12f: {  	v3 =	vand.u32 $0x7, v3;
	v4 =	vand.u32 $0xFFFFFFC0, v42  }
0x130: {  	v3 =	vor.u32 v3, v4  }
0x131: {  	v4 =	vperm.xlane v3, v0;
	_ =	sdelay $0x1  }
0x132: {  	v4 =	vadd.s32 v1, v4;
	_ =	sdelay $0x4  }
0x133: {  	[tilespmem:s24], [sflag:$0x5] =	stream.indirect_vreg.gather [hbm4b:s1+s3], $0x80, v4, vm0, $0xb8;
	[tilespmem:$0x18200] =	vst v63  }
0x134: {  	s21 =	simm.s32 $0x10A00;
	v3 =	vperm.xlane v3, v2  }
0x135: {  	[tilespmem:s21], [sflag:$0x5] =	stream.indirect_vreg.gather [hbm4b:s5+s3], $0x80, v4, vm0, $0xb8;
	[tilespmem:$0x18200] =	vst v63  }
0x136: {  	s25 =	simm.s32 $0x11200;
	v3 =	vadd.s32 v1, v3  }
0x137: {  	[tilespmem:s25], [sflag:$0x5] =	stream.indirect_vreg.gather [hbm4b:s6+s3], $0x80, v4, vm0, $0xb8;
	[tilespmem:$0x18200] =	vst v63  }
0x138: {  	s26 =	simm.s32 $0x11A00  }
0x139: {  	[tilespmem:s26], [sflag:$0x5] =	stream.indirect_vreg.gather [hbm4b:s7+s3], $0x80, v4, vm0, $0xb8;
	[tilespmem:$0x18200] =	vst v63  }
0x13a: {  	s24 =	simm.s32 $0x12200  }
0x13b: {  	[tilespmem:s24], [sflag:$0x5] =	stream.indirect_vreg.gather [hbm4b:s1+s3], $0x80, v3, vm0, $0xb8;
	[tilespmem:$0x18200] =	vst v63  }
0x13c: {  	s25 =	simm.s32 $0x12A00  }
0x13d: {  	[tilespmem:s25], [sflag:$0x5] =	stream.indirect_vreg.gather [hbm4b:s5+s3], $0x80, v3, vm0, $0xb8;
	[tilespmem:$0x18200] =	vst v63  }
0x13e: {  	s26 =	simm.s32 $0x13200  }
0x13f: {  	[tilespmem:s26], [sflag:$0x5] =	stream.indirect_vreg.gather [hbm4b:s6+s3], $0x80, v3, vm0, $0xb8;
	[tilespmem:$0x18200] =	vst v63  }
0x140: {  	s19 =	simm.s32 $0x13A00  }
0x141: {  	[tilespmem:s19], [sflag:$0x5] =	stream.indirect_vreg.gather [hbm4b:s7+s3], $0x80, v3, vm0, $0xb8;
	[tilespmem:$0x18200] =	vst v63  }
0x142: {  	_ =	swait.ge [sflag:s16], $0x4000  }
0x143: {  	[sflag:s16] =	ssyncset.done $0x0  }
0x144: {  	s2 =	simm.s32 $0x14200;
	s19 =	rddreg [dreg:$0x9];
	[sflag:s16] =	ssyncadd.s32 $0xFFFFC000  }
0x145: {  	[hbm4b:s19+s3] =	stream.linear.scatter [tilespmem:s2], [sflag:$0xC], $0x4000, $0x38;
	[tilespmem:$0x18200] =	vst v63  }
0x146: {  	_ =	swait.ge [sflag:s17], $0x4000  }
0x147: {  	[sflag:s17] =	ssyncset.done $0x0  }
0x148: {  	[sflag:s17] =	ssyncadd.s32 $0xFFFFC000  }
0x149: {  	v3 =	vld [tilespmem:$0xB0];
	_ =	sdelay $0x4  }
0x14a: {  	v43 =	vshll.u32 v3, $0x3  }
0x14b: {  	v3 =	vand.u32 $0x7, v3;
	v4 =	vand.u32 $0xFFFFFFC0, v43  }
0x14c: {  	v3 =	vor.u32 v3, v4  }
0x14d: {  	v4 =	vperm.xlane v3, v0;
	_ =	sdelay $0x1  }
0x14e: {  	v4 =	vadd.s32 v1, v4;
	_ =	sdelay $0x4  }
0x14f: {  	[tilespmem:s2], [sflag:$0x6] =	stream.indirect_vreg.gather [hbm4b:s1+s3], $0x80, v4, vm0, $0xb8;
	[tilespmem:$0x18200] =	vst v63  }
0x150: {  	s19 =	simm.s32 $0x14A00;
	v3 =	vperm.xlane v3, v2  }
0x151: {  	[tilespmem:s19], [sflag:$0x6] =	stream.indirect_vreg.gather [hbm4b:s5+s3], $0x80, v4, vm0, $0xb8;
	[tilespmem:$0x18200] =	vst v63  }
0x152: {  	v3 =	vadd.s32 v1, v3;
	s19 =	simm.s32 $0x15200  }
0x153: {  	[tilespmem:s19], [sflag:$0x6] =	stream.indirect_vreg.gather [hbm4b:s6+s3], $0x80, v4, vm0, $0xb8;
	[tilespmem:$0x18200] =	vst v63  }
0x154: {  	s19 =	simm.s32 $0x15A00  }
0x155: {  	[tilespmem:s19], [sflag:$0x6] =	stream.indirect_vreg.gather [hbm4b:s7+s3], $0x80, v4, vm0, $0xb8;
	[tilespmem:$0x18200] =	vst v63  }
0x156: {  	s19 =	simm.s32 $0x16200  }
0x157: {  	[tilespmem:s19], [sflag:$0x6] =	stream.indirect_vreg.gather [hbm4b:s1+s3], $0x80, v3, vm0, $0xb8;
	[tilespmem:$0x18200] =	vst v63  }
0x158: {  	s19 =	simm.s32 $0x16A00  }
0x159: {  	[tilespmem:s19], [sflag:$0x6] =	stream.indirect_vreg.gather [hbm4b:s5+s3], $0x80, v3, vm0, $0xb8;
	[tilespmem:$0x18200] =	vst v63  }
0x15a: {  	s19 =	simm.s32 $0x17200  }
0x15b: {  	[tilespmem:s19], [sflag:$0x6] =	stream.indirect_vreg.gather [hbm4b:s6+s3], $0x80, v3, vm0, $0xb8;
	[tilespmem:$0x18200] =	vst v63  }
0x15c: {  	s19 =	simm.s32 $0x17A00  }
0x15d: {  	[tilespmem:s19], [sflag:$0x6] =	stream.indirect_vreg.gather [hbm4b:s7+s3], $0x80, v3, vm0, $0xb8;
	[tilespmem:$0x18200] =	vst v63  }
0x15e: {  	_ =	swait.ge [sflag:s0], $0x4000  }
0x15f: {  	[sflag:s0] =	ssyncset.done $0x0  }
0x160: {  	s2 =	simm.s32 $0x200;
	s19 =	rddreg [dreg:$0xa];
	[sflag:s0] =	ssyncadd.s32 $0xFFFFC000  }
0x161: {  	[hbm4b:s19+s3] =	stream.linear.scatter [tilespmem:s2], [sflag:$0x7], $0x4000, $0x38;
	[tilespmem:$0x18200] =	vst v63  }
0x162: {  	_ =	swait.ge [sflag:s9], $0x4000  }
0x163: {  	[sflag:s9] =	ssyncset.done $0x0  }
0x164: {  	[sflag:s9] =	ssyncadd.s32 $0xFFFFC000  }
0x165: {  	v3 =	vld [tilespmem:$0xC0];
	_ =	sdelay $0x4  }
0x166: {  	v44 =	vshll.u32 v3, $0x3  }
0x167: {  	v3 =	vand.u32 $0x7, v3;
	v4 =	vand.u32 $0xFFFFFFC0, v44  }
0x168: {  	v3 =	vor.u32 v3, v4  }
0x169: {  	v4 =	vperm.xlane v3, v0;
	_ =	sdelay $0x1  }
0x16a: {  	v4 =	vadd.s32 v1, v4;
	_ =	sdelay $0x4  }
0x16b: {  	[tilespmem:s2], [sflag:$0x1] =	stream.indirect_vreg.gather [hbm4b:s1+s3], $0x80, v4, vm0, $0xb8;
	[tilespmem:$0x18200] =	vst v63  }
0x16c: {  	s19 =	simm.s32 $0xA00;
	v3 =	vperm.xlane v3, v2  }
0x16d: {  	[tilespmem:s19], [sflag:$0x1] =	stream.indirect_vreg.gather [hbm4b:s5+s3], $0x80, v4, vm0, $0xb8;
	[tilespmem:$0x18200] =	vst v63  }
0x16e: {  	v3 =	vadd.s32 v1, v3;
	s19 =	simm.s32 $0x1200  }
0x16f: {  	[tilespmem:s19], [sflag:$0x1] =	stream.indirect_vreg.gather [hbm4b:s6+s3], $0x80, v4, vm0, $0xb8;
	[tilespmem:$0x18200] =	vst v63  }
0x170: {  	s19 =	simm.s32 $0x1A00  }
0x171: {  	[tilespmem:s19], [sflag:$0x1] =	stream.indirect_vreg.gather [hbm4b:s7+s3], $0x80, v4, vm0, $0xb8;
	[tilespmem:$0x18200] =	vst v63  }
0x172: {  	s19 =	simm.s32 $0x2200  }
0x173: {  	[tilespmem:s19], [sflag:$0x1] =	stream.indirect_vreg.gather [hbm4b:s1+s3], $0x80, v3, vm0, $0xb8;
	[tilespmem:$0x18200] =	vst v63  }
0x174: {  	s19 =	simm.s32 $0x2A00  }
0x175: {  	[tilespmem:s19], [sflag:$0x1] =	stream.indirect_vreg.gather [hbm4b:s5+s3], $0x80, v3, vm0, $0xb8;
	[tilespmem:$0x18200] =	vst v63  }
0x176: {  	s19 =	simm.s32 $0x3200  }
0x177: {  	[tilespmem:s19], [sflag:$0x1] =	stream.indirect_vreg.gather [hbm4b:s6+s3], $0x80, v3, vm0, $0xb8;
	[tilespmem:$0x18200] =	vst v63  }
0x178: {  	s19 =	simm.s32 $0x3A00  }
0x179: {  	[tilespmem:s19], [sflag:$0x1] =	stream.indirect_vreg.gather [hbm4b:s7+s3], $0x80, v3, vm0, $0xb8;
	[tilespmem:$0x18200] =	vst v63  }
0x17a: {  	_ =	swait.ge [sflag:s29], $0x4000  }
0x17b: {  	[sflag:s29] =	ssyncset.done $0x0  }
0x17c: {  	s2 =	simm.s32 $0x4200;
	s19 =	rddreg [dreg:$0xb];
	[sflag:s29] =	ssyncadd.s32 $0xFFFFC000  }
0x17d: {  	[hbm4b:s19+s3] =	stream.linear.scatter [tilespmem:s2], [sflag:$0x8], $0x4000, $0x38;
	[tilespmem:$0x18200] =	vst v63  }
0x17e: {  	_ =	swait.ge [sflag:s31], $0x4000  }
0x17f: {  	[sflag:s31] =	ssyncset.done $0x0  }
0x180: {  	[sflag:s31] =	ssyncadd.s32 $0xFFFFC000  }
0x181: {  	v3 =	vld [tilespmem:$0xD0];
	_ =	sdelay $0x4  }
0x182: {  	v45 =	vshll.u32 v3, $0x3  }
0x183: {  	v3 =	vand.u32 $0x7, v3;
	v4 =	vand.u32 $0xFFFFFFC0, v45  }
0x184: {  	v3 =	vor.u32 v3, v4  }
0x185: {  	v4 =	vperm.xlane v3, v0;
	_ =	sdelay $0x1  }
0x186: {  	v4 =	vadd.s32 v1, v4;
	_ =	sdelay $0x4  }
0x187: {  	[tilespmem:s2], [sflag:$0x2] =	stream.indirect_vreg.gather [hbm4b:s1+s3], $0x80, v4, vm0, $0xb8;
	[tilespmem:$0x18200] =	vst v63  }
0x188: {  	s19 =	simm.s32 $0x4A00;
	v3 =	vperm.xlane v3, v2  }
0x189: {  	[tilespmem:s19], [sflag:$0x2] =	stream.indirect_vreg.gather [hbm4b:s5+s3], $0x80, v4, vm0, $0xb8;
	[tilespmem:$0x18200] =	vst v63  }
0x18a: {  	s23 =	simm.s32 $0x5200;
	v3 =	vadd.s32 v1, v3  }
0x18b: {  	[tilespmem:s23], [sflag:$0x2] =	stream.indirect_vreg.gather [hbm4b:s6+s3], $0x80, v4, vm0, $0xb8;
	[tilespmem:$0x18200] =	vst v63  }
0x18c: {  	s23 =	simm.s32 $0x5A00  }
0x18d: {  	[tilespmem:s23], [sflag:$0x2] =	stream.indirect_vreg.gather [hbm4b:s7+s3], $0x80, v4, vm0, $0xb8;
	[tilespmem:$0x18200] =	vst v63  }
0x18e: {  	s19 =	simm.s32 $0x6200  }
0x18f: {  	[tilespmem:s19], [sflag:$0x2] =	stream.indirect_vreg.gather [hbm4b:s1+s3], $0x80, v3, vm0, $0xb8;
	[tilespmem:$0x18200] =	vst v63  }
0x190: {  	s23 =	simm.s32 $0x6A00  }
0x191: {  	[tilespmem:s23], [sflag:$0x2] =	stream.indirect_vreg.gather [hbm4b:s5+s3], $0x80, v3, vm0, $0xb8;
	[tilespmem:$0x18200] =	vst v63  }
0x192: {  	s19 =	simm.s32 $0x7200  }
0x193: {  	[tilespmem:s19], [sflag:$0x2] =	stream.indirect_vreg.gather [hbm4b:s6+s3], $0x80, v3, vm0, $0xb8;
	[tilespmem:$0x18200] =	vst v63  }
0x194: {  	s23 =	simm.s32 $0x7A00  }
0x195: {  	[tilespmem:s23], [sflag:$0x2] =	stream.indirect_vreg.gather [hbm4b:s7+s3], $0x80, v3, vm0, $0xb8;
	[tilespmem:$0x18200] =	vst v63  }
0x196: {  	_ =	swait.ge [sflag:s18], $0x4000  }
0x197: {  	[sflag:s18] =	ssyncset.done $0x0  }
0x198: {  	s23 =	simm.s32 $0x8200;
	s2 =	rddreg [dreg:$0xc];
	[sflag:s18] =	ssyncadd.s32 $0xFFFFC000  }
0x199: {  	[hbm4b:s2+s3] =	stream.linear.scatter [tilespmem:s23], [sflag:$0x9], $0x4000, $0x38;
	[tilespmem:$0x18200] =	vst v63  }
0x19a: {  	_ =	swait.ge [sflag:s11], $0x4000  }
0x19b: {  	[sflag:s11] =	ssyncset.done $0x0  }
0x19c: {  	[sflag:s11] =	ssyncadd.s32 $0xFFFFC000  }
0x19d: {  	v3 =	vld [tilespmem:$0xE0];
	_ =	sdelay $0x4  }
0x19e: {  	v46 =	vshll.u32 v3, $0x3  }
0x19f: {  	v3 =	vand.u32 $0x7, v3;
	v4 =	vand.u32 $0xFFFFFFC0, v46  }
0x1a0: {  	v3 =	vor.u32 v3, v4  }
0x1a1: {  	v4 =	vperm.xlane v3, v0;
	_ =	sdelay $0x1  }
0x1a2: {  	v4 =	vadd.s32 v1, v4;
	_ =	sdelay $0x4  }
0x1a3: {  	[tilespmem:s23], [sflag:$0x3] =	stream.indirect_vreg.gather [hbm4b:s1+s3], $0x80, v4, vm0, $0xb8;
	[tilespmem:$0x18200] =	vst v63  }
0x1a4: {  	s19 =	simm.s32 $0x8A00;
	v3 =	vperm.xlane v3, v2  }
0x1a5: {  	[tilespmem:s19], [sflag:$0x3] =	stream.indirect_vreg.gather [hbm4b:s5+s3], $0x80, v4, vm0, $0xb8;
	[tilespmem:$0x18200] =	vst v63  }
0x1a6: {  	v3 =	vadd.s32 v1, v3;
	s19 =	simm.s32 $0x9200  }
0x1a7: {  	[tilespmem:s19], [sflag:$0x3] =	stream.indirect_vreg.gather [hbm4b:s6+s3], $0x80, v4, vm0, $0xb8;
	[tilespmem:$0x18200] =	vst v63  }
0x1a8: {  	s19 =	simm.s32 $0x9A00  }
0x1a9: {  	[tilespmem:s19], [sflag:$0x3] =	stream.indirect_vreg.gather [hbm4b:s7+s3], $0x80, v4, vm0, $0xb8;
	[tilespmem:$0x18200] =	vst v63  }
0x1aa: {  	s19 =	simm.s32 $0xA200  }
0x1ab: {  	[tilespmem:s19], [sflag:$0x3] =	stream.indirect_vreg.gather [hbm4b:s1+s3], $0x80, v3, vm0, $0xb8;
	[tilespmem:$0x18200] =	vst v63  }
0x1ac: {  	_ = 	snop  }
0x1ad: {  	[tilespmem:s4], [sflag:$0x3] =	stream.indirect_vreg.gather [hbm4b:s5+s3], $0x80, v3, vm0, $0xb8;
	[tilespmem:$0x18200] =	vst v63  }
0x1ae: {  	s2 =	simm.s32 $0xB200  }
0x1af: {  	[tilespmem:s2], [sflag:$0x3] =	stream.indirect_vreg.gather [hbm4b:s6+s3], $0x80, v3, vm0, $0xb8;
	[tilespmem:$0x18200] =	vst v63  }
0x1b0: {  	_ = 	snop  }
0x1b1: {  	[tilespmem:s8], [sflag:$0x3] =	stream.indirect_vreg.gather [hbm4b:s7+s3], $0x80, v3, vm0, $0xb8;
	[tilespmem:$0x18200] =	vst v63  }
0x1b2: {  	_ =	swait.ge [sflag:s12], $0x4000  }
0x1b3: {  	[sflag:s12] =	ssyncset.done $0x0  }
0x1b4: {  	s8 =	simm.s32 $0xC200;
	s4 =	rddreg [dreg:$0xd];
	[sflag:s12] =	ssyncadd.s32 $0xFFFFC000  }
0x1b5: {  	[hbm4b:s4+s3] =	stream.linear.scatter [tilespmem:s8], [sflag:$0xA], $0x4000, $0x38;
	[tilespmem:$0x18200] =	vst v63  }
0x1b6: {  	_ =	swait.ge [sflag:s13], $0x4000  }
0x1b7: {  	[sflag:s13] =	ssyncset.done $0x0  }
0x1b8: {  	[sflag:s13] =	ssyncadd.s32 $0xFFFFC000  }
0x1b9: {  	v3 =	vld [tilespmem:$0xF0];
	_ =	sdelay $0x4  }
0x1ba: {  	v47 =	vshll.u32 v3, $0x3  }
0x1bb: {  	v3 =	vand.u32 $0x7, v3;
	v4 =	vand.u32 $0xFFFFFFC0, v47  }
0x1bc: {  	v3 =	vor.u32 v3, v4  }
0x1bd: {  	v4 =	vperm.xlane v3, v0;
	_ =	sdelay $0x1  }
0x1be: {  	v4 =	vadd.s32 v1, v4;
	_ =	sdelay $0x4  }
0x1bf: {  	[tilespmem:s8], [sflag:$0x4] =	stream.indirect_vreg.gather [hbm4b:s1+s3], $0x80, v4, vm0, $0xb8;
	[tilespmem:$0x18200] =	vst v63  }
0x1c0: {  	s19 =	simm.s32 $0xCA00;
	v3 =	vperm.xlane v3, v2  }
0x1c1: {  	[tilespmem:s19], [sflag:$0x4] =	stream.indirect_vreg.gather [hbm4b:s5+s3], $0x80, v4, vm0, $0xb8;
	[tilespmem:$0x18200] =	vst v63  }
0x1c2: {  	v3 =	vadd.s32 v1, v3  }
0x1c3: {  	[tilespmem:s22], [sflag:$0x4] =	stream.indirect_vreg.gather [hbm4b:s6+s3], $0x80, v4, vm0, $0xb8;
	[tilespmem:$0x18200] =	vst v63  }
0x1c4: {  	_ = 	snop  }
0x1c5: {  	[tilespmem:s28], [sflag:$0x4] =	stream.indirect_vreg.gather [hbm4b:s7+s3], $0x80, v4, vm0, $0xb8;
	[tilespmem:$0x18200] =	vst v63  }
0x1c6: {  	_ = 	snop  }
0x1c7: {  	[tilespmem:s30], [sflag:$0x4] =	stream.indirect_vreg.gather [hbm4b:s1+s3], $0x80, v3, vm0, $0xb8;
	[tilespmem:$0x18200] =	vst v63  }
0x1c8: {  	_ = 	snop  }
0x1c9: {  	[tilespmem:s20], [sflag:$0x4] =	stream.indirect_vreg.gather [hbm4b:s5+s3], $0x80, v3, vm0, $0xb8;
	[tilespmem:$0x18200] =	vst v63  }
0x1ca: {  	_ = 	snop  }
0x1cb: {  	[tilespmem:s10], [sflag:$0x4] =	stream.indirect_vreg.gather [hbm4b:s6+s3], $0x80, v3, vm0, $0xb8;
	[tilespmem:$0x18200] =	vst v63  }
0x1cc: {  	s30 =	simm.s32 $0xFA00  }
0x1cd: {  	[tilespmem:s30], [sflag:$0x4] =	stream.indirect_vreg.gather [hbm4b:s7+s3], $0x80, v3, vm0, $0xb8;
	[tilespmem:$0x18200] =	vst v63  }
0x1ce: {  	_ =	swait.ge [sflag:s14], $0x4000  }
0x1cf: {  	[sflag:s14] =	ssyncset.done $0x0  }
0x1d0: {  	s10 =	simm.s32 $0x10200;
	s4 =	rddreg [dreg:$0xe];
	[sflag:s14] =	ssyncadd.s32 $0xFFFFC000  }
0x1d1: {  	[hbm4b:s4+s3] =	stream.linear.scatter [tilespmem:s10], [sflag:$0xB], $0x4000, $0x38;
	[tilespmem:$0x18200] =	vst v63  }
0x1d2: {  	_ =	swait.ge [sflag:s15], $0x4000  }
0x1d3: {  	[sflag:s15] =	ssyncset.done $0x0  }
0x1d4: {  	[sflag:s15] =	ssyncadd.s32 $0xFFFFC000  }
0x1d5: {  	v3 =	vld [tilespmem:$0x100];
	_ =	sdelay $0x4  }
0x1d6: {  	v48 =	vshll.u32 v3, $0x3  }
0x1d7: {  	v3 =	vand.u32 $0x7, v3;
	v4 =	vand.u32 $0xFFFFFFC0, v48  }
0x1d8: {  	v3 =	vor.u32 v3, v4  }
0x1d9: {  	v4 =	vperm.xlane v3, v0;
	_ =	sdelay $0x1  }
0x1da: {  	v4 =	vadd.s32 v1, v4;
	_ =	sdelay $0x4  }
0x1db: {  	[tilespmem:s10], [sflag:$0x5] =	stream.indirect_vreg.gather [hbm4b:s1+s3], $0x80, v4, vm0, $0xb8;
	[tilespmem:$0x18200] =	vst v63  }
0x1dc: {  	v3 =	vperm.xlane v3, v2  }
0x1dd: {  	[tilespmem:s21], [sflag:$0x5] =	stream.indirect_vreg.gather [hbm4b:s5+s3], $0x80, v4, vm0, $0xb8;
	[tilespmem:$0x18200] =	vst v63  }
0x1de: {  	s20 =	simm.s32 $0x11200;
	v3 =	vadd.s32 v1, v3  }
0x1df: {  	[tilespmem:s20], [sflag:$0x5] =	stream.indirect_vreg.gather [hbm4b:s6+s3], $0x80, v4, vm0, $0xb8;
	[tilespmem:$0x18200] =	vst v63  }
0x1e0: {  	s21 =	simm.s32 $0x11A00  }
0x1e1: {  	[tilespmem:s21], [sflag:$0x5] =	stream.indirect_vreg.gather [hbm4b:s7+s3], $0x80, v4, vm0, $0xb8;
	[tilespmem:$0x18200] =	vst v63  }
0x1e2: {  	_ = 	snop  }
0x1e3: {  	[tilespmem:s24], [sflag:$0x5] =	stream.indirect_vreg.gather [hbm4b:s1+s3], $0x80, v3, vm0, $0xb8;
	[tilespmem:$0x18200] =	vst v63  }
0x1e4: {  	_ = 	snop  }
0x1e5: {  	[tilespmem:s25], [sflag:$0x5] =	stream.indirect_vreg.gather [hbm4b:s5+s3], $0x80, v3, vm0, $0xb8;
	[tilespmem:$0x18200] =	vst v63  }
0x1e6: {  	_ = 	snop  }
0x1e7: {  	[tilespmem:s26], [sflag:$0x5] =	stream.indirect_vreg.gather [hbm4b:s6+s3], $0x80, v3, vm0, $0xb8;
	[tilespmem:$0x18200] =	vst v63  }
0x1e8: {  	s26 =	simm.s32 $0x13A00  }
0x1e9: {  	[tilespmem:s26], [sflag:$0x5] =	stream.indirect_vreg.gather [hbm4b:s7+s3], $0x80, v3, vm0, $0xb8;
	[tilespmem:$0x18200] =	vst v63  }
0x1ea: {  	_ =	swait.ge [sflag:s16], $0x4000  }
0x1eb: {  	[sflag:s16] =	ssyncset.done $0x0  }
0x1ec: {  	s10 =	simm.s32 $0x14200;
	s4 =	rddreg [dreg:$0xf];
	[sflag:s16] =	ssyncadd.s32 $0xFFFFC000  }
0x1ed: {  	[hbm4b:s4+s3] =	stream.linear.scatter [tilespmem:s10], [sflag:$0xC], $0x4000, $0x38;
	[tilespmem:$0x18200] =	vst v63  }
0x1ee: {  	_ =	swait.ge [sflag:s17], $0x4000  }
0x1ef: {  	[sflag:s17] =	ssyncset.done $0x0  }
0x1f0: {  	[sflag:s17] =	ssyncadd.s32 $0xFFFFC000  }
0x1f1: {  	v3 =	vld [tilespmem:$0x110];
	_ =	sdelay $0x4  }
0x1f2: {  	v49 =	vshll.u32 v3, $0x3  }
0x1f3: {  	v3 =	vand.u32 $0x7, v3;
	v4 =	vand.u32 $0xFFFFFFC0, v49  }
0x1f4: {  	v3 =	vor.u32 v3, v4  }
0x1f5: {  	v4 =	vperm.xlane v3, v0;
	_ =	sdelay $0x1  }
0x1f6: {  	v4 =	vadd.s32 v1, v4;
	_ =	sdelay $0x4  }
0x1f7: {  	[tilespmem:s10], [sflag:$0x6] =	stream.indirect_vreg.gather [hbm4b:s1+s3], $0x80, v4, vm0, $0xb8;
	[tilespmem:$0x18200] =	vst v63  }
0x1f8: {  	s19 =	simm.s32 $0x14A00;
	v3 =	vperm.xlane v3, v2  }
0x1f9: {  	[tilespmem:s19], [sflag:$0x6] =	stream.indirect_vreg.gather [hbm4b:s5+s3], $0x80, v4, vm0, $0xb8;
	[tilespmem:$0x18200] =	vst v63  }
0x1fa: {  	s20 =	simm.s32 $0x15200;
	v3 =	vadd.s32 v1, v3  }
0x1fb: {  	[tilespmem:s20], [sflag:$0x6] =	stream.indirect_vreg.gather [hbm4b:s6+s3], $0x80, v4, vm0, $0xb8;
	[tilespmem:$0x18200] =	vst v63  }
0x1fc: {  	s26 =	simm.s32 $0x15A00  }
0x1fd: {  	[tilespmem:s26], [sflag:$0x6] =	stream.indirect_vreg.gather [hbm4b:s7+s3], $0x80, v4, vm0, $0xb8;
	[tilespmem:$0x18200] =	vst v63  }
0x1fe: {  	s10 =	simm.s32 $0x16200  }
0x1ff: {  	[tilespmem:s10], [sflag:$0x6] =	stream.indirect_vreg.gather [hbm4b:s1+s3], $0x80, v3, vm0, $0xb8;
	[tilespmem:$0x18200] =	vst v63  }
0x200: {  	s19 =	simm.s32 $0x16A00  }
0x201: {  	[tilespmem:s19], [sflag:$0x6] =	stream.indirect_vreg.gather [hbm4b:s5+s3], $0x80, v3, vm0, $0xb8;
	[tilespmem:$0x18200] =	vst v63  }
0x202: {  	s20 =	simm.s32 $0x17200  }
0x203: {  	[tilespmem:s20], [sflag:$0x6] =	stream.indirect_vreg.gather [hbm4b:s6+s3], $0x80, v3, vm0, $0xb8;
	[tilespmem:$0x18200] =	vst v63  }
0x204: {  	s26 =	simm.s32 $0x17A00  }
0x205: {  	[tilespmem:s26], [sflag:$0x6] =	stream.indirect_vreg.gather [hbm4b:s7+s3], $0x80, v3, vm0, $0xb8;
	[tilespmem:$0x18200] =	vst v63  }
0x206: {  	_ =	swait.ge [sflag:s0], $0x4000  }
0x207: {  	[sflag:s0] =	ssyncset.done $0x0  }
0x208: {  	s20 =	simm.s32 $0x200;
	s10 =	rddreg [dreg:$0x10];
	[sflag:s0] =	ssyncadd.s32 $0xFFFFC000  }
0x209: {  	[hbm4b:s10+s3] =	stream.linear.scatter [tilespmem:s20], [sflag:$0x7], $0x4000, $0x38;
	[tilespmem:$0x18200] =	vst v63  }
0x20a: {  	_ =	swait.ge [sflag:s9], $0x4000  }
0x20b: {  	[sflag:s9] =	ssyncset.done $0x0  }
0x20c: {  	[sflag:s9] =	ssyncadd.s32 $0xFFFFC000  }
0x20d: {  	v3 =	vld [tilespmem:$0x120];
	_ =	sdelay $0x4  }
0x20e: {  	v50 =	vshll.u32 v3, $0x3  }
0x20f: {  	v3 =	vand.u32 $0x7, v3;
	v4 =	vand.u32 $0xFFFFFFC0, v50  }
0x210: {  	v3 =	vor.u32 v3, v4  }
0x211: {  	v4 =	vperm.xlane v3, v0;
	_ =	sdelay $0x1  }
0x212: {  	v4 =	vadd.s32 v1, v4;
	_ =	sdelay $0x4  }
0x213: {  	[tilespmem:s20], [sflag:$0x1] =	stream.indirect_vreg.gather [hbm4b:s1+s3], $0x80, v4, vm0, $0xb8;
	[tilespmem:$0x18200] =	vst v63  }
0x214: {  	s26 =	simm.s32 $0xA00;
	v3 =	vperm.xlane v3, v2  }
0x215: {  	[tilespmem:s26], [sflag:$0x1] =	stream.indirect_vreg.gather [hbm4b:s5+s3], $0x80, v4, vm0, $0xb8;
	[tilespmem:$0x18200] =	vst v63  }
0x216: {  	s19 =	simm.s32 $0x1200;
	v3 =	vadd.s32 v1, v3  }
0x217: {  	[tilespmem:s19], [sflag:$0x1] =	stream.indirect_vreg.gather [hbm4b:s6+s3], $0x80, v4, vm0, $0xb8;
	[tilespmem:$0x18200] =	vst v63  }
0x218: {  	s20 =	simm.s32 $0x1A00  }
0x219: {  	[tilespmem:s20], [sflag:$0x1] =	stream.indirect_vreg.gather [hbm4b:s7+s3], $0x80, v4, vm0, $0xb8;
	[tilespmem:$0x18200] =	vst v63  }
0x21a: {  	s26 =	simm.s32 $0x2200  }
0x21b: {  	[tilespmem:s26], [sflag:$0x1] =	stream.indirect_vreg.gather [hbm4b:s1+s3], $0x80, v3, vm0, $0xb8;
	[tilespmem:$0x18200] =	vst v63  }
0x21c: {  	s19 =	simm.s32 $0x2A00  }
0x21d: {  	[tilespmem:s19], [sflag:$0x1] =	stream.indirect_vreg.gather [hbm4b:s5+s3], $0x80, v3, vm0, $0xb8;
	[tilespmem:$0x18200] =	vst v63  }
0x21e: {  	s20 =	simm.s32 $0x3200  }
0x21f: {  	[tilespmem:s20], [sflag:$0x1] =	stream.indirect_vreg.gather [hbm4b:s6+s3], $0x80, v3, vm0, $0xb8;
	[tilespmem:$0x18200] =	vst v63  }
0x220: {  	s26 =	simm.s32 $0x3A00  }
0x221: {  	[tilespmem:s26], [sflag:$0x1] =	stream.indirect_vreg.gather [hbm4b:s7+s3], $0x80, v3, vm0, $0xb8;
	[tilespmem:$0x18200] =	vst v63  }
0x222: {  	_ =	swait.ge [sflag:s29], $0x4000  }
0x223: {  	[sflag:s29] =	ssyncset.done $0x0  }
0x224: {  	s20 =	simm.s32 $0x4200;
	s4 =	rddreg [dreg:$0x11];
	[sflag:s29] =	ssyncadd.s32 $0xFFFFC000  }
0x225: {  	[hbm4b:s4+s3] =	stream.linear.scatter [tilespmem:s20], [sflag:$0x8], $0x4000, $0x38;
	[tilespmem:$0x18200] =	vst v63  }
0x226: {  	_ =	swait.ge [sflag:s31], $0x4000  }
0x227: {  	[sflag:s31] =	ssyncset.done $0x0  }
0x228: {  	[sflag:s31] =	ssyncadd.s32 $0xFFFFC000  }
0x229: {  	v3 =	vld [tilespmem:$0x130];
	_ =	sdelay $0x4  }
0x22a: {  	v51 =	vshll.u32 v3, $0x3  }
0x22b: {  	v3 =	vand.u32 $0x7, v3;
	v4 =	vand.u32 $0xFFFFFFC0, v51  }
0x22c: {  	v3 =	vor.u32 v3, v4  }
0x22d: {  	v4 =	vperm.xlane v3, v0;
	_ =	sdelay $0x1  }
0x22e: {  	v4 =	vadd.s32 v1, v4;
	_ =	sdelay $0x4  }
0x22f: {  	[tilespmem:s20], [sflag:$0x2] =	stream.indirect_vreg.gather [hbm4b:s1+s3], $0x80, v4, vm0, $0xb8;
	[tilespmem:$0x18200] =	vst v63  }
0x230: {  	s26 =	simm.s32 $0x4A00;
	v3 =	vperm.xlane v3, v2  }
0x231: {  	[tilespmem:s26], [sflag:$0x2] =	stream.indirect_vreg.gather [hbm4b:s5+s3], $0x80, v4, vm0, $0xb8;
	[tilespmem:$0x18200] =	vst v63  }
0x232: {  	s19 =	simm.s32 $0x5200;
	v3 =	vadd.s32 v1, v3  }
0x233: {  	[tilespmem:s19], [sflag:$0x2] =	stream.indirect_vreg.gather [hbm4b:s6+s3], $0x80, v4, vm0, $0xb8;
	[tilespmem:$0x18200] =	vst v63  }
0x234: {  	s26 =	simm.s32 $0x5A00  }
0x235: {  	[tilespmem:s26], [sflag:$0x2] =	stream.indirect_vreg.gather [hbm4b:s7+s3], $0x80, v4, vm0, $0xb8;
	[tilespmem:$0x18200] =	vst v63  }
0x236: {  	s19 =	simm.s32 $0x6200  }
0x237: {  	[tilespmem:s19], [sflag:$0x2] =	stream.indirect_vreg.gather [hbm4b:s1+s3], $0x80, v3, vm0, $0xb8;
	[tilespmem:$0x18200] =	vst v63  }
0x238: {  	s26 =	simm.s32 $0x6A00  }
0x239: {  	[tilespmem:s26], [sflag:$0x2] =	stream.indirect_vreg.gather [hbm4b:s5+s3], $0x80, v3, vm0, $0xb8;
	[tilespmem:$0x18200] =	vst v63  }
0x23a: {  	s19 =	simm.s32 $0x7200  }
0x23b: {  	[tilespmem:s19], [sflag:$0x2] =	stream.indirect_vreg.gather [hbm4b:s6+s3], $0x80, v3, vm0, $0xb8;
	[tilespmem:$0x18200] =	vst v63  }
0x23c: {  	s26 =	simm.s32 $0x7A00  }
0x23d: {  	[tilespmem:s26], [sflag:$0x2] =	stream.indirect_vreg.gather [hbm4b:s7+s3], $0x80, v3, vm0, $0xb8;
	[tilespmem:$0x18200] =	vst v63  }
0x23e: {  	_ =	swait.ge [sflag:s18], $0x4000  }
0x23f: {  	[sflag:s18] =	ssyncset.done $0x0  }
0x240: {  	s23 =	simm.s32 $0x8200;
	s4 =	rddreg [dreg:$0x12];
	[sflag:s18] =	ssyncadd.s32 $0xFFFFC000  }
0x241: {  	[hbm4b:s4+s3] =	stream.linear.scatter [tilespmem:s23], [sflag:$0x9], $0x4000, $0x38;
	[tilespmem:$0x18200] =	vst v63  }
0x242: {  	_ =	swait.ge [sflag:s11], $0x4000  }
0x243: {  	[sflag:s11] =	ssyncset.done $0x0  }
0x244: {  	[sflag:s11] =	ssyncadd.s32 $0xFFFFC000  }
0x245: {  	v3 =	vld [tilespmem:$0x140];
	_ =	sdelay $0x4  }
0x246: {  	v52 =	vshll.u32 v3, $0x3  }
0x247: {  	v3 =	vand.u32 $0x7, v3;
	v4 =	vand.u32 $0xFFFFFFC0, v52  }
0x248: {  	v3 =	vor.u32 v3, v4  }
0x249: {  	v4 =	vperm.xlane v3, v0;
	_ =	sdelay $0x1  }
0x24a: {  	v4 =	vadd.s32 v1, v4;
	_ =	sdelay $0x4  }
0x24b: {  	[tilespmem:s23], [sflag:$0x3] =	stream.indirect_vreg.gather [hbm4b:s1+s3], $0x80, v4, vm0, $0xb8;
	[tilespmem:$0x18200] =	vst v63  }
0x24c: {  	v3 =	vperm.xlane v3, v2;
	s23 =	simm.s32 $0x8A00  }
0x24d: {  	[tilespmem:s23], [sflag:$0x3] =	stream.indirect_vreg.gather [hbm4b:s5+s3], $0x80, v4, vm0, $0xb8;
	[tilespmem:$0x18200] =	vst v63  }
0x24e: {  	s26 =	simm.s32 $0x9200;
	v3 =	vadd.s32 v1, v3  }
0x24f: {  	[tilespmem:s26], [sflag:$0x3] =	stream.indirect_vreg.gather [hbm4b:s6+s3], $0x80, v4, vm0, $0xb8;
	[tilespmem:$0x18200] =	vst v63  }
0x250: {  	s4 =	simm.s32 $0x9A00  }
0x251: {  	[tilespmem:s4], [sflag:$0x3] =	stream.indirect_vreg.gather [hbm4b:s7+s3], $0x80, v4, vm0, $0xb8;
	[tilespmem:$0x18200] =	vst v63  }
0x252: {  	s19 =	simm.s32 $0xA200  }
0x253: {  	[tilespmem:s19], [sflag:$0x3] =	stream.indirect_vreg.gather [hbm4b:s1+s3], $0x80, v3, vm0, $0xb8;
	[tilespmem:$0x18200] =	vst v63  }
0x254: {  	s4 =	simm.s32 $0xAA00  }
0x255: {  	[tilespmem:s4], [sflag:$0x3] =	stream.indirect_vreg.gather [hbm4b:s5+s3], $0x80, v3, vm0, $0xb8;
	[tilespmem:$0x18200] =	vst v63  }
0x256: {  	_ = 	snop  }
0x257: {  	[tilespmem:s2], [sflag:$0x3] =	stream.indirect_vreg.gather [hbm4b:s6+s3], $0x80, v3, vm0, $0xb8;
	[tilespmem:$0x18200] =	vst v63  }
0x258: {  	s23 =	simm.s32 $0xBA00  }
0x259: {  	[tilespmem:s23], [sflag:$0x3] =	stream.indirect_vreg.gather [hbm4b:s7+s3], $0x80, v3, vm0, $0xb8;
	[tilespmem:$0x18200] =	vst v63  }
0x25a: {  	_ =	swait.ge [sflag:s12], $0x4000  }
0x25b: {  	[sflag:s12] =	ssyncset.done $0x0  }
0x25c: {  	s8 =	simm.s32 $0xC200;
	s2 =	rddreg [dreg:$0x13];
	[sflag:s12] =	ssyncadd.s32 $0xFFFFC000  }
0x25d: {  	[hbm4b:s2+s3] =	stream.linear.scatter [tilespmem:s8], [sflag:$0xA], $0x4000, $0x38;
	[tilespmem:$0x18200] =	vst v63  }
0x25e: {  	_ =	swait.ge [sflag:s13], $0x4000  }
0x25f: {  	[sflag:s13] =	ssyncset.done $0x0  }
0x260: {  	[sflag:s13] =	ssyncadd.s32 $0xFFFFC000  }
0x261: {  	v3 =	vld [tilespmem:$0x150];
	_ =	sdelay $0x4  }
0x262: {  	v53 =	vshll.u32 v3, $0x3  }
0x263: {  	v3 =	vand.u32 $0x7, v3;
	v4 =	vand.u32 $0xFFFFFFC0, v53  }
0x264: {  	v3 =	vor.u32 v3, v4  }
0x265: {  	v4 =	vperm.xlane v3, v0;
	_ =	sdelay $0x1  }
0x266: {  	v4 =	vadd.s32 v1, v4;
	_ =	sdelay $0x4  }
0x267: {  	[tilespmem:s8], [sflag:$0x4] =	stream.indirect_vreg.gather [hbm4b:s1+s3], $0x80, v4, vm0, $0xb8;
	[tilespmem:$0x18200] =	vst v63  }
0x268: {  	v3 =	vperm.xlane v3, v2;
	s8 =	simm.s32 $0xCA00  }
0x269: {  	[tilespmem:s8], [sflag:$0x4] =	stream.indirect_vreg.gather [hbm4b:s5+s3], $0x80, v4, vm0, $0xb8;
	[tilespmem:$0x18200] =	vst v63  }
0x26a: {  	s19 =	simm.s32 $0xD200;
	v3 =	vadd.s32 v1, v3  }
0x26b: {  	[tilespmem:s19], [sflag:$0x4] =	stream.indirect_vreg.gather [hbm4b:s6+s3], $0x80, v4, vm0, $0xb8;
	[tilespmem:$0x18200] =	vst v63  }
0x26c: {  	s23 =	simm.s32 $0xDA00  }
0x26d: {  	[tilespmem:s23], [sflag:$0x4] =	stream.indirect_vreg.gather [hbm4b:s7+s3], $0x80, v4, vm0, $0xb8;
	[tilespmem:$0x18200] =	vst v63  }
0x26e: {  	s19 =	simm.s32 $0xE200  }
0x26f: {  	[tilespmem:s19], [sflag:$0x4] =	stream.indirect_vreg.gather [hbm4b:s1+s3], $0x80, v3, vm0, $0xb8;
	[tilespmem:$0x18200] =	vst v63  }
0x270: {  	s23 =	simm.s32 $0xEA00  }
0x271: {  	[tilespmem:s23], [sflag:$0x4] =	stream.indirect_vreg.gather [hbm4b:s5+s3], $0x80, v3, vm0, $0xb8;
	[tilespmem:$0x18200] =	vst v63  }
0x272: {  	s19 =	simm.s32 $0xF200  }
0x273: {  	[tilespmem:s19], [sflag:$0x4] =	stream.indirect_vreg.gather [hbm4b:s6+s3], $0x80, v3, vm0, $0xb8;
	[tilespmem:$0x18200] =	vst v63  }
0x274: {  	s23 =	simm.s32 $0xFA00  }
0x275: {  	[tilespmem:s23], [sflag:$0x4] =	stream.indirect_vreg.gather [hbm4b:s7+s3], $0x80, v3, vm0, $0xb8;
	[tilespmem:$0x18200] =	vst v63  }
0x276: {  	_ =	swait.ge [sflag:s14], $0x4000  }
0x277: {  	[sflag:s14] =	ssyncset.done $0x0  }
0x278: {  	s22 =	simm.s32 $0x10200;
	s8 =	rddreg [dreg:$0x14];
	[sflag:s14] =	ssyncadd.s32 $0xFFFFC000  }
0x279: {  	[hbm4b:s8+s3] =	stream.linear.scatter [tilespmem:s22], [sflag:$0xB], $0x4000, $0x38;
	[tilespmem:$0x18200] =	vst v63  }
0x27a: {  	_ =	swait.ge [sflag:s15], $0x4000  }
0x27b: {  	[sflag:s15] =	ssyncset.done $0x0  }
0x27c: {  	[sflag:s15] =	ssyncadd.s32 $0xFFFFC000  }
0x27d: {  	v3 =	vld [tilespmem:$0x160];
	_ =	sdelay $0x4  }
0x27e: {  	v54 =	vshll.u32 v3, $0x3  }
0x27f: {  	v3 =	vand.u32 $0x7, v3;
	v4 =	vand.u32 $0xFFFFFFC0, v54  }
0x280: {  	v3 =	vor.u32 v3, v4  }
0x281: {  	v4 =	vperm.xlane v3, v0;
	_ =	sdelay $0x1  }
0x282: {  	v4 =	vadd.s32 v1, v4;
	_ =	sdelay $0x4  }
0x283: {  	[tilespmem:s22], [sflag:$0x5] =	stream.indirect_vreg.gather [hbm4b:s1+s3], $0x80, v4, vm0, $0xb8;
	[tilespmem:$0x18200] =	vst v63  }
0x284: {  	s23 =	simm.s32 $0x10A00;
	v3 =	vperm.xlane v3, v2  }
0x285: {  	[tilespmem:s23], [sflag:$0x5] =	stream.indirect_vreg.gather [hbm4b:s5+s3], $0x80, v4, vm0, $0xb8;
	[tilespmem:$0x18200] =	vst v63  }
0x286: {  	s28 =	simm.s32 $0x11200;
	v3 =	vadd.s32 v1, v3  }
0x287: {  	[tilespmem:s28], [sflag:$0x5] =	stream.indirect_vreg.gather [hbm4b:s6+s3], $0x80, v4, vm0, $0xb8;
	[tilespmem:$0x18200] =	vst v63  }
0x288: {  	s28 =	simm.s32 $0x11A00  }
0x289: {  	[tilespmem:s28], [sflag:$0x5] =	stream.indirect_vreg.gather [hbm4b:s7+s3], $0x80, v4, vm0, $0xb8;
	[tilespmem:$0x18200] =	vst v63  }
0x28a: {  	s24 =	simm.s32 $0x12200  }
0x28b: {  	[tilespmem:s24], [sflag:$0x5] =	stream.indirect_vreg.gather [hbm4b:s1+s3], $0x80, v3, vm0, $0xb8;
	[tilespmem:$0x18200] =	vst v63  }
0x28c: {  	s25 =	simm.s32 $0x12A00  }
0x28d: {  	[tilespmem:s25], [sflag:$0x5] =	stream.indirect_vreg.gather [hbm4b:s5+s3], $0x80, v3, vm0, $0xb8;
	[tilespmem:$0x18200] =	vst v63  }
0x28e: {  	s30 =	simm.s32 $0x13200  }
0x28f: {  	[tilespmem:s30], [sflag:$0x5] =	stream.indirect_vreg.gather [hbm4b:s6+s3], $0x80, v3, vm0, $0xb8;
	[tilespmem:$0x18200] =	vst v63  }
0x290: {  	s30 =	simm.s32 $0x13A00  }
0x291: {  	[tilespmem:s30], [sflag:$0x5] =	stream.indirect_vreg.gather [hbm4b:s7+s3], $0x80, v3, vm0, $0xb8;
	[tilespmem:$0x18200] =	vst v63  }
0x292: {  	_ =	swait.ge [sflag:s16], $0x4000  }
0x293: {  	[sflag:s16] =	ssyncset.done $0x0  }
0x294: {  	s21 =	simm.s32 $0x14200;
	s22 =	rddreg [dreg:$0x15];
	[sflag:s16] =	ssyncadd.s32 $0xFFFFC000  }
0x295: {  	[hbm4b:s22+s3] =	stream.linear.scatter [tilespmem:s21], [sflag:$0xC], $0x4000, $0x38;
	[tilespmem:$0x18200] =	vst v63  }
0x296: {  	_ =	swait.ge [sflag:s17], $0x4000  }
0x297: {  	[sflag:s17] =	ssyncset.done $0x0  }
0x298: {  	[sflag:s17] =	ssyncadd.s32 $0xFFFFC000  }
0x299: {  	v3 =	vld [tilespmem:$0x170];
	_ =	sdelay $0x4  }
0x29a: {  	v55 =	vshll.u32 v3, $0x3  }
0x29b: {  	v3 =	vand.u32 $0x7, v3;
	v4 =	vand.u32 $0xFFFFFFC0, v55  }
0x29c: {  	v3 =	vor.u32 v3, v4  }
0x29d: {  	v4 =	vperm.xlane v3, v0;
	_ =	sdelay $0x1  }
0x29e: {  	v4 =	vadd.s32 v1, v4;
	_ =	sdelay $0x4  }
0x29f: {  	[tilespmem:s21], [sflag:$0x6] =	stream.indirect_vreg.gather [hbm4b:s1+s3], $0x80, v4, vm0, $0xb8;
	[tilespmem:$0x18200] =	vst v63  }
0x2a0: {  	s30 =	simm.s32 $0x14A00;
	v3 =	vperm.xlane v3, v2  }
0x2a1: {  	[tilespmem:s30], [sflag:$0x6] =	stream.indirect_vreg.gather [hbm4b:s5+s3], $0x80, v4, vm0, $0xb8;
	[tilespmem:$0x18200] =	vst v63  }
0x2a2: {  	v3 =	vadd.s32 v1, v3;
	s21 =	simm.s32 $0x15200  }
0x2a3: {  	[tilespmem:s21], [sflag:$0x6] =	stream.indirect_vreg.gather [hbm4b:s6+s3], $0x80, v4, vm0, $0xb8;
	[tilespmem:$0x18200] =	vst v63  }
0x2a4: {  	s22 =	simm.s32 $0x15A00  }
0x2a5: {  	[tilespmem:s22], [sflag:$0x6] =	stream.indirect_vreg.gather [hbm4b:s7+s3], $0x80, v4, vm0, $0xb8;
	[tilespmem:$0x18200] =	vst v63  }
0x2a6: {  	s30 =	simm.s32 $0x16200  }
0x2a7: {  	[tilespmem:s30], [sflag:$0x6] =	stream.indirect_vreg.gather [hbm4b:s1+s3], $0x80, v3, vm0, $0xb8;
	[tilespmem:$0x18200] =	vst v63  }
0x2a8: {  	s21 =	simm.s32 $0x16A00  }
0x2a9: {  	[tilespmem:s21], [sflag:$0x6] =	stream.indirect_vreg.gather [hbm4b:s5+s3], $0x80, v3, vm0, $0xb8;
	[tilespmem:$0x18200] =	vst v63  }
0x2aa: {  	s22 =	simm.s32 $0x17200  }
0x2ab: {  	[tilespmem:s22], [sflag:$0x6] =	stream.indirect_vreg.gather [hbm4b:s6+s3], $0x80, v3, vm0, $0xb8;
	[tilespmem:$0x18200] =	vst v63  }
0x2ac: {  	s30 =	simm.s32 $0x17A00  }
0x2ad: {  	[tilespmem:s30], [sflag:$0x6] =	stream.indirect_vreg.gather [hbm4b:s7+s3], $0x80, v3, vm0, $0xb8;
	[tilespmem:$0x18200] =	vst v63  }
0x2ae: {  	_ =	swait.ge [sflag:s0], $0x4000  }
0x2af: {  	[sflag:s0] =	ssyncset.done $0x0  }
0x2b0: {  	s10 =	simm.s32 $0x200;
	s21 =	rddreg [dreg:$0x16];
	[sflag:s0] =	ssyncadd.s32 $0xFFFFC000  }
0x2b1: {  	[hbm4b:s21+s3] =	stream.linear.scatter [tilespmem:s10], [sflag:$0x7], $0x4000, $0x38;
	[tilespmem:$0x18200] =	vst v63  }
0x2b2: {  	_ =	swait.ge [sflag:s9], $0x4000  }
0x2b3: {  	[sflag:s9] =	ssyncset.done $0x0  }
0x2b4: {  	[sflag:s9] =	ssyncadd.s32 $0xFFFFC000  }
0x2b5: {  	v3 =	vld [tilespmem:$0x180];
	_ =	sdelay $0x4  }
0x2b6: {  	v56 =	vshll.u32 v3, $0x3  }
0x2b7: {  	v3 =	vand.u32 $0x7, v3;
	v4 =	vand.u32 $0xFFFFFFC0, v56  }
0x2b8: {  	v3 =	vor.u32 v3, v4  }
0x2b9: {  	v4 =	vperm.xlane v3, v0;
	_ =	sdelay $0x1  }
0x2ba: {  	v4 =	vadd.s32 v1, v4;
	_ =	sdelay $0x4  }
0x2bb: {  	[tilespmem:s10], [sflag:$0x1] =	stream.indirect_vreg.gather [hbm4b:s1+s3], $0x80, v4, vm0, $0xb8;
	[tilespmem:$0x18200] =	vst v63  }
0x2bc: {  	s22 =	simm.s32 $0xA00;
	v3 =	vperm.xlane v3, v2  }
0x2bd: {  	[tilespmem:s22], [sflag:$0x1] =	stream.indirect_vreg.gather [hbm4b:s5+s3], $0x80, v4, vm0, $0xb8;
	[tilespmem:$0x18200] =	vst v63  }
0x2be: {  	s30 =	simm.s32 $0x1200;
	v3 =	vadd.s32 v1, v3  }
0x2bf: {  	[tilespmem:s30], [sflag:$0x1] =	stream.indirect_vreg.gather [hbm4b:s6+s3], $0x80, v4, vm0, $0xb8;
	[tilespmem:$0x18200] =	vst v63  }
0x2c0: {  	s10 =	simm.s32 $0x1A00  }
0x2c1: {  	[tilespmem:s10], [sflag:$0x1] =	stream.indirect_vreg.gather [hbm4b:s7+s3], $0x80, v4, vm0, $0xb8;
	[tilespmem:$0x18200] =	vst v63  }
0x2c2: {  	s21 =	simm.s32 $0x2200  }
0x2c3: {  	[tilespmem:s21], [sflag:$0x1] =	stream.indirect_vreg.gather [hbm4b:s1+s3], $0x80, v3, vm0, $0xb8;
	[tilespmem:$0x18200] =	vst v63  }
0x2c4: {  	s22 =	simm.s32 $0x2A00  }
0x2c5: {  	[tilespmem:s22], [sflag:$0x1] =	stream.indirect_vreg.gather [hbm4b:s5+s3], $0x80, v3, vm0, $0xb8;
	[tilespmem:$0x18200] =	vst v63  }
0x2c6: {  	s30 =	simm.s32 $0x3200  }
0x2c7: {  	[tilespmem:s30], [sflag:$0x1] =	stream.indirect_vreg.gather [hbm4b:s6+s3], $0x80, v3, vm0, $0xb8;
	[tilespmem:$0x18200] =	vst v63  }
0x2c8: {  	s10 =	simm.s32 $0x3A00  }
0x2c9: {  	[tilespmem:s10], [sflag:$0x1] =	stream.indirect_vreg.gather [hbm4b:s7+s3], $0x80, v3, vm0, $0xb8;
	[tilespmem:$0x18200] =	vst v63  }
0x2ca: {  	_ =	swait.ge [sflag:s29], $0x4000  }
0x2cb: {  	[sflag:s29] =	ssyncset.done $0x0  }
0x2cc: {  	s20 =	simm.s32 $0x4200;
	s21 =	rddreg [dreg:$0x17];
	[sflag:s29] =	ssyncadd.s32 $0xFFFFC000  }
0x2cd: {  	[hbm4b:s21+s3] =	stream.linear.scatter [tilespmem:s20], [sflag:$0x8], $0x4000, $0x38;
	[tilespmem:$0x18200] =	vst v63  }
0x2ce: {  	_ =	swait.ge [sflag:s31], $0x4000  }
0x2cf: {  	[sflag:s31] =	ssyncset.done $0x0  }
0x2d0: {  	[sflag:s31] =	ssyncadd.s32 $0xFFFFC000  }
0x2d1: {  	v3 =	vld [tilespmem:$0x190];
	_ =	sdelay $0x4  }
0x2d2: {  	v57 =	vshll.u32 v3, $0x3  }
0x2d3: {  	v3 =	vand.u32 $0x7, v3;
	v4 =	vand.u32 $0xFFFFFFC0, v57  }
0x2d4: {  	v3 =	vor.u32 v3, v4  }
0x2d5: {  	v4 =	vperm.xlane v3, v0;
	_ =	sdelay $0x1  }
0x2d6: {  	v4 =	vadd.s32 v1, v4;
	_ =	sdelay $0x4  }
0x2d7: {  	[tilespmem:s20], [sflag:$0x2] =	stream.indirect_vreg.gather [hbm4b:s1+s3], $0x80, v4, vm0, $0xb8;
	[tilespmem:$0x18200] =	vst v63  }
0x2d8: {  	s22 =	simm.s32 $0x4A00;
	v3 =	vperm.xlane v3, v2  }
0x2d9: {  	[tilespmem:s22], [sflag:$0x2] =	stream.indirect_vreg.gather [hbm4b:s5+s3], $0x80, v4, vm0, $0xb8;
	[tilespmem:$0x18200] =	vst v63  }
0x2da: {  	s30 =	simm.s32 $0x5200;
	v3 =	vadd.s32 v1, v3  }
0x2db: {  	[tilespmem:s30], [sflag:$0x2] =	stream.indirect_vreg.gather [hbm4b:s6+s3], $0x80, v4, vm0, $0xb8;
	[tilespmem:$0x18200] =	vst v63  }
0x2dc: {  	s10 =	simm.s32 $0x5A00  }
0x2dd: {  	[tilespmem:s10], [sflag:$0x2] =	stream.indirect_vreg.gather [hbm4b:s7+s3], $0x80, v4, vm0, $0xb8;
	[tilespmem:$0x18200] =	vst v63  }
0x2de: {  	s20 =	simm.s32 $0x6200  }
0x2df: {  	[tilespmem:s20], [sflag:$0x2] =	stream.indirect_vreg.gather [hbm4b:s1+s3], $0x80, v3, vm0, $0xb8;
	[tilespmem:$0x18200] =	vst v63  }
0x2e0: {  	s22 =	simm.s32 $0x6A00  }
0x2e1: {  	[tilespmem:s22], [sflag:$0x2] =	stream.indirect_vreg.gather [hbm4b:s5+s3], $0x80, v3, vm0, $0xb8;
	[tilespmem:$0x18200] =	vst v63  }
0x2e2: {  	s10 =	simm.s32 $0x7200  }
0x2e3: {  	[tilespmem:s10], [sflag:$0x2] =	stream.indirect_vreg.gather [hbm4b:s6+s3], $0x80, v3, vm0, $0xb8;
	[tilespmem:$0x18200] =	vst v63  }
0x2e4: {  	s20 =	simm.s32 $0x7A00  }
0x2e5: {  	[tilespmem:s20], [sflag:$0x2] =	stream.indirect_vreg.gather [hbm4b:s7+s3], $0x80, v3, vm0, $0xb8;
	[tilespmem:$0x18200] =	vst v63  }
0x2e6: {  	_ =	swait.ge [sflag:s18], $0x4000  }
0x2e7: {  	[sflag:s18] =	ssyncset.done $0x0  }
0x2e8: {  	s10 =	simm.s32 $0x8200;
	s22 =	rddreg [dreg:$0x18];
	[sflag:s18] =	ssyncadd.s32 $0xFFFFC000  }
0x2e9: {  	[hbm4b:s22+s3] =	stream.linear.scatter [tilespmem:s10], [sflag:$0x9], $0x4000, $0x38;
	[tilespmem:$0x18200] =	vst v63  }
0x2ea: {  	_ =	swait.ge [sflag:s11], $0x4000  }
0x2eb: {  	[sflag:s11] =	ssyncset.done $0x0  }
0x2ec: {  	[sflag:s11] =	ssyncadd.s32 $0xFFFFC000  }
0x2ed: {  	v3 =	vld [tilespmem:$0x1A0];
	_ =	sdelay $0x4  }
0x2ee: {  	v58 =	vshll.u32 v3, $0x3  }
0x2ef: {  	v3 =	vand.u32 $0x7, v3;
	v4 =	vand.u32 $0xFFFFFFC0, v58  }
0x2f0: {  	v3 =	vor.u32 v3, v4  }
0x2f1: {  	v4 =	vperm.xlane v3, v0;
	_ =	sdelay $0x1  }
0x2f2: {  	v4 =	vadd.s32 v1, v4;
	_ =	sdelay $0x4  }
0x2f3: {  	[tilespmem:s10], [sflag:$0x3] =	stream.indirect_vreg.gather [hbm4b:s1+s3], $0x80, v4, vm0, $0xb8;
	[tilespmem:$0x18200] =	vst v63  }
0x2f4: {  	s19 =	simm.s32 $0x8A00;
	v3 =	vperm.xlane v3, v2  }
0x2f5: {  	[tilespmem:s19], [sflag:$0x3] =	stream.indirect_vreg.gather [hbm4b:s5+s3], $0x80, v4, vm0, $0xb8;
	[tilespmem:$0x18200] =	vst v63  }
0x2f6: {  	s22 =	simm.s32 $0x9200;
	v3 =	vadd.s32 v1, v3  }
0x2f7: {  	[tilespmem:s22], [sflag:$0x3] =	stream.indirect_vreg.gather [hbm4b:s6+s3], $0x80, v4, vm0, $0xb8;
	[tilespmem:$0x18200] =	vst v63  }
0x2f8: {  	s26 =	simm.s32 $0x9A00  }
0x2f9: {  	[tilespmem:s26], [sflag:$0x3] =	stream.indirect_vreg.gather [hbm4b:s7+s3], $0x80, v4, vm0, $0xb8;
	[tilespmem:$0x18200] =	vst v63  }
0x2fa: {  	s26 =	simm.s32 $0xA200  }
0x2fb: {  	[tilespmem:s26], [sflag:$0x3] =	stream.indirect_vreg.gather [hbm4b:s1+s3], $0x80, v3, vm0, $0xb8;
	[tilespmem:$0x18200] =	vst v63  }
0x2fc: {  	_ = 	snop  }
0x2fd: {  	[tilespmem:s4], [sflag:$0x3] =	stream.indirect_vreg.gather [hbm4b:s5+s3], $0x80, v3, vm0, $0xb8;
	[tilespmem:$0x18200] =	vst v63  }
0x2fe: {  	s19 =	simm.s32 $0xB200  }
0x2ff: {  	[tilespmem:s19], [sflag:$0x3] =	stream.indirect_vreg.gather [hbm4b:s6+s3], $0x80, v3, vm0, $0xb8;
	[tilespmem:$0x18200] =	vst v63  }
0x300: {  	s22 =	simm.s32 $0xBA00  }
0x301: {  	[tilespmem:s22], [sflag:$0x3] =	stream.indirect_vreg.gather [hbm4b:s7+s3], $0x80, v3, vm0, $0xb8;
	[tilespmem:$0x18200] =	vst v63  }
0x302: {  	_ =	swait.ge [sflag:s12], $0x4000  }
0x303: {  	[sflag:s12] =	ssyncset.done $0x0  }
0x304: {  	s4 =	simm.s32 $0xC200;
	s26 =	rddreg [dreg:$0x19];
	[sflag:s12] =	ssyncadd.s32 $0xFFFFC000  }
0x305: {  	[hbm4b:s26+s3] =	stream.linear.scatter [tilespmem:s4], [sflag:$0xA], $0x4000, $0x38;
	[tilespmem:$0x18200] =	vst v63  }
0x306: {  	_ =	swait.ge [sflag:s13], $0x4000  }
0x307: {  	[sflag:s13] =	ssyncset.done $0x0  }
0x308: {  	[sflag:s13] =	ssyncadd.s32 $0xFFFFC000  }
0x309: {  	v3 =	vld [tilespmem:$0x1B0];
	_ =	sdelay $0x4  }
0x30a: {  	v59 =	vshll.u32 v3, $0x3  }
0x30b: {  	v3 =	vand.u32 $0x7, v3;
	v4 =	vand.u32 $0xFFFFFFC0, v59  }
0x30c: {  	v3 =	vor.u32 v3, v4  }
0x30d: {  	v4 =	vperm.xlane v3, v0;
	_ =	sdelay $0x1  }
0x30e: {  	v4 =	vadd.s32 v1, v4;
	_ =	sdelay $0x4  }
0x30f: {  	[tilespmem:s4], [sflag:$0x4] =	stream.indirect_vreg.gather [hbm4b:s1+s3], $0x80, v4, vm0, $0xb8;
	[tilespmem:$0x18200] =	vst v63  }
0x310: {  	s2 =	simm.s32 $0xCA00;
	v3 =	vperm.xlane v3, v2  }
0x311: {  	[tilespmem:s2], [sflag:$0x4] =	stream.indirect_vreg.gather [hbm4b:s5+s3], $0x80, v4, vm0, $0xb8;
	[tilespmem:$0x18200] =	vst v63  }
0x312: {  	s10 =	simm.s32 $0xD200;
	v3 =	vadd.s32 v1, v3  }
0x313: {  	[tilespmem:s10], [sflag:$0x4] =	stream.indirect_vreg.gather [hbm4b:s6+s3], $0x80, v4, vm0, $0xb8;
	[tilespmem:$0x18200] =	vst v63  }
0x314: {  	s19 =	simm.s32 $0xDA00  }
0x315: {  	[tilespmem:s19], [sflag:$0x4] =	stream.indirect_vreg.gather [hbm4b:s7+s3], $0x80, v4, vm0, $0xb8;
	[tilespmem:$0x18200] =	vst v63  }
0x316: {  	s26 =	simm.s32 $0xE200  }
0x317: {  	[tilespmem:s26], [sflag:$0x4] =	stream.indirect_vreg.gather [hbm4b:s1+s3], $0x80, v3, vm0, $0xb8;
	[tilespmem:$0x18200] =	vst v63  }
0x318: {  	s4 =	simm.s32 $0xEA00  }
0x319: {  	[tilespmem:s4], [sflag:$0x4] =	stream.indirect_vreg.gather [hbm4b:s5+s3], $0x80, v3, vm0, $0xb8;
	[tilespmem:$0x18200] =	vst v63  }
0x31a: {  	s10 =	simm.s32 $0xF200  }
0x31b: {  	[tilespmem:s10], [sflag:$0x4] =	stream.indirect_vreg.gather [hbm4b:s6+s3], $0x80, v3, vm0, $0xb8;
	[tilespmem:$0x18200] =	vst v63  }
0x31c: {  	s19 =	simm.s32 $0xFA00  }
0x31d: {  	[tilespmem:s19], [sflag:$0x4] =	stream.indirect_vreg.gather [hbm4b:s7+s3], $0x80, v3, vm0, $0xb8;
	[tilespmem:$0x18200] =	vst v63  }
0x31e: {  	_ =	swait.ge [sflag:s14], $0x4000  }
0x31f: {  	[sflag:s14] =	ssyncset.done $0x0  }
0x320: {  	s2 =	simm.s32 $0x10200;
	s26 =	rddreg [dreg:$0x1a];
	[sflag:s14] =	ssyncadd.s32 $0xFFFFC000  }
0x321: {  	[hbm4b:s26+s3] =	stream.linear.scatter [tilespmem:s2], [sflag:$0xB], $0x4000, $0x38;
	[tilespmem:$0x18200] =	vst v63  }
0x322: {  	_ =	swait.ge [sflag:s15], $0x4000  }
0x323: {  	[sflag:s15] =	ssyncset.done $0x0  }
0x324: {  	[sflag:s15] =	ssyncadd.s32 $0xFFFFC000  }
0x325: {  	v3 =	vld [tilespmem:$0x1C0];
	_ =	sdelay $0x4  }
0x326: {  	v60 =	vshll.u32 v3, $0x3  }
0x327: {  	v3 =	vand.u32 $0x7, v3;
	v4 =	vand.u32 $0xFFFFFFC0, v60  }
0x328: {  	v3 =	vor.u32 v3, v4  }
0x329: {  	v4 =	vperm.xlane v3, v0;
	_ =	sdelay $0x1  }
0x32a: {  	v4 =	vadd.s32 v1, v4;
	_ =	sdelay $0x4  }
0x32b: {  	[tilespmem:s2], [sflag:$0x5] =	stream.indirect_vreg.gather [hbm4b:s1+s3], $0x80, v4, vm0, $0xb8;
	[tilespmem:$0x18200] =	vst v63  }
0x32c: {  	s4 =	simm.s32 $0x10A00;
	v3 =	vperm.xlane v3, v2  }
0x32d: {  	[tilespmem:s4], [sflag:$0x5] =	stream.indirect_vreg.gather [hbm4b:s5+s3], $0x80, v4, vm0, $0xb8;
	[tilespmem:$0x18200] =	vst v63  }
0x32e: {  	s23 =	simm.s32 $0x11200;
	v3 =	vadd.s32 v1, v3  }
0x32f: {  	[tilespmem:s23], [sflag:$0x5] =	stream.indirect_vreg.gather [hbm4b:s6+s3], $0x80, v4, vm0, $0xb8;
	[tilespmem:$0x18200] =	vst v63  }
0x330: {  	s8 =	simm.s32 $0x11A00  }
0x331: {  	[tilespmem:s8], [sflag:$0x5] =	stream.indirect_vreg.gather [hbm4b:s7+s3], $0x80, v4, vm0, $0xb8;
	[tilespmem:$0x18200] =	vst v63  }
0x332: {  	s28 =	simm.s32 $0x12200  }
0x333: {  	[tilespmem:s28], [sflag:$0x5] =	stream.indirect_vreg.gather [hbm4b:s1+s3], $0x80, v3, vm0, $0xb8;
	[tilespmem:$0x18200] =	vst v63  }
0x334: {  	s24 =	simm.s32 $0x12A00  }
0x335: {  	[tilespmem:s24], [sflag:$0x5] =	stream.indirect_vreg.gather [hbm4b:s5+s3], $0x80, v3, vm0, $0xb8;
	[tilespmem:$0x18200] =	vst v63  }
0x336: {  	s25 =	simm.s32 $0x13200  }
0x337: {  	[tilespmem:s25], [sflag:$0x5] =	stream.indirect_vreg.gather [hbm4b:s6+s3], $0x80, v3, vm0, $0xb8;
	[tilespmem:$0x18200] =	vst v63  }
0x338: {  	s8 =	simm.s32 $0x13A00  }
0x339: {  	[tilespmem:s8], [sflag:$0x5] =	stream.indirect_vreg.gather [hbm4b:s7+s3], $0x80, v3, vm0, $0xb8;
	[tilespmem:$0x18200] =	vst v63  }
0x33a: {  	_ =	swait.ge [sflag:s16], $0x4000  }
0x33b: {  	[sflag:s16] =	ssyncset.done $0x0  }
0x33c: {  	s23 =	simm.s32 $0x14200;
	s10 =	rddreg [dreg:$0x1b];
	[sflag:s16] =	ssyncadd.s32 $0xFFFFC000  }
0x33d: {  	[hbm4b:s10+s3] =	stream.linear.scatter [tilespmem:s23], [sflag:$0xC], $0x4000, $0x38;
	[tilespmem:$0x18200] =	vst v63  }
0x33e: {  	_ =	swait.ge [sflag:s17], $0x4000  }
0x33f: {  	[sflag:s17] =	ssyncset.done $0x0  }
0x340: {  	[sflag:s17] =	ssyncadd.s32 $0xFFFFC000  }
0x341: {  	v3 =	vld [tilespmem:$0x1D0];
	_ =	sdelay $0x4  }
0x342: {  	v61 =	vshll.u32 v3, $0x3  }
0x343: {  	v3 =	vand.u32 $0x7, v3;
	v4 =	vand.u32 $0xFFFFFFC0, v61  }
0x344: {  	v3 =	vor.u32 v3, v4  }
0x345: {  	v4 =	vperm.xlane v3, v0;
	_ =	sdelay $0x1  }
0x346: {  	v4 =	vadd.s32 v1, v4;
	_ =	sdelay $0x4  }
0x347: {  	[tilespmem:s23], [sflag:$0x6] =	stream.indirect_vreg.gather [hbm4b:s1+s3], $0x80, v4, vm0, $0xb8;
	[tilespmem:$0x18200] =	vst v63  }
0x348: {  	s24 =	simm.s32 $0x14A00;
	v3 =	vperm.xlane v3, v2  }
0x349: {  	[tilespmem:s24], [sflag:$0x6] =	stream.indirect_vreg.gather [hbm4b:s5+s3], $0x80, v4, vm0, $0xb8;
	[tilespmem:$0x18200] =	vst v63  }
0x34a: {  	s25 =	simm.s32 $0x15200;
	v3 =	vadd.s32 v1, v3  }
0x34b: {  	[tilespmem:s25], [sflag:$0x6] =	stream.indirect_vreg.gather [hbm4b:s6+s3], $0x80, v4, vm0, $0xb8;
	[tilespmem:$0x18200] =	vst v63  }
0x34c: {  	s28 =	simm.s32 $0x15A00  }
0x34d: {  	[tilespmem:s28], [sflag:$0x6] =	stream.indirect_vreg.gather [hbm4b:s7+s3], $0x80, v4, vm0, $0xb8;
	[tilespmem:$0x18200] =	vst v63  }
0x34e: {  	s4 =	simm.s32 $0x16200  }
0x34f: {  	[tilespmem:s4], [sflag:$0x6] =	stream.indirect_vreg.gather [hbm4b:s1+s3], $0x80, v3, vm0, $0xb8;
	[tilespmem:$0x18200] =	vst v63  }
0x350: {  	s10 =	simm.s32 $0x16A00  }
0x351: {  	[tilespmem:s10], [sflag:$0x6] =	stream.indirect_vreg.gather [hbm4b:s5+s3], $0x80, v3, vm0, $0xb8;
	[tilespmem:$0x18200] =	vst v63  }
0x352: {  	s19 =	simm.s32 $0x17200  }
0x353: {  	[tilespmem:s19], [sflag:$0x6] =	stream.indirect_vreg.gather [hbm4b:s6+s3], $0x80, v3, vm0, $0xb8;
	[tilespmem:$0x18200] =	vst v63  }
0x354: {  	s23 =	simm.s32 $0x17A00  }
0x355: {  	[tilespmem:s23], [sflag:$0x6] =	stream.indirect_vreg.gather [hbm4b:s7+s3], $0x80, v3, vm0, $0xb8;
	[tilespmem:$0x18200] =	vst v63  }
0x356: {  	_ =	swait.ge [sflag:s0], $0x4000  }
0x357: {  	[sflag:s0] =	ssyncset.done $0x0  }
0x358: {  	s25 =	simm.s32 $0x200;
	s24 =	rddreg [dreg:$0x1c];
	[sflag:s0] =	ssyncadd.s32 $0xFFFFC000  }
0x359: {  	[hbm4b:s24+s3] =	stream.linear.scatter [tilespmem:s25], [sflag:$0x7], $0x4000, $0x38;
	[tilespmem:$0x18200] =	vst v63  }
0x35a: {  	_ =	swait.ge [sflag:s9], $0x4000  }
0x35b: {  	[sflag:s9] =	ssyncset.done $0x0  }
0x35c: {  	[sflag:s9] =	ssyncadd.s32 $0xFFFFC000  }
0x35d: {  	v3 =	vld [tilespmem:$0x1E0];
	_ =	sdelay $0x4  }
0x35e: {  	v62 =	vshll.u32 v3, $0x3  }
0x35f: {  	v3 =	vand.u32 $0x7, v3;
	v4 =	vand.u32 $0xFFFFFFC0, v62  }
0x360: {  	v3 =	vor.u32 v3, v4  }
0x361: {  	v4 =	vperm.xlane v3, v0;
	_ =	sdelay $0x1  }
0x362: {  	v4 =	vadd.s32 v1, v4;
	_ =	sdelay $0x4  }
0x363: {  	[tilespmem:s25], [sflag:$0x1] =	stream.indirect_vreg.gather [hbm4b:s1+s3], $0x80, v4, vm0, $0xb8;
	[tilespmem:$0x18200] =	vst v63  }
0x364: {  	s28 =	simm.s32 $0xA00;
	v3 =	vperm.xlane v3, v2  }
0x365: {  	[tilespmem:s28], [sflag:$0x1] =	stream.indirect_vreg.gather [hbm4b:s5+s3], $0x80, v4, vm0, $0xb8;
	[tilespmem:$0x18200] =	vst v63  }
0x366: {  	s10 =	simm.s32 $0x1200;
	v3 =	vadd.s32 v1, v3  }
0x367: {  	[tilespmem:s10], [sflag:$0x1] =	stream.indirect_vreg.gather [hbm4b:s6+s3], $0x80, v4, vm0, $0xb8;
	[tilespmem:$0x18200] =	vst v63  }
0x368: {  	s19 =	simm.s32 $0x1A00  }
0x369: {  	[tilespmem:s19], [sflag:$0x1] =	stream.indirect_vreg.gather [hbm4b:s7+s3], $0x80, v4, vm0, $0xb8;
	[tilespmem:$0x18200] =	vst v63  }
0x36a: {  	s23 =	simm.s32 $0x2200  }
0x36b: {  	[tilespmem:s23], [sflag:$0x1] =	stream.indirect_vreg.gather [hbm4b:s1+s3], $0x80, v3, vm0, $0xb8;
	[tilespmem:$0x18200] =	vst v63  }
0x36c: {  	s24 =	simm.s32 $0x2A00  }
0x36d: {  	[tilespmem:s24], [sflag:$0x1] =	stream.indirect_vreg.gather [hbm4b:s5+s3], $0x80, v3, vm0, $0xb8;
	[tilespmem:$0x18200] =	vst v63  }
0x36e: {  	s25 =	simm.s32 $0x3200  }
0x36f: {  	[tilespmem:s25], [sflag:$0x1] =	stream.indirect_vreg.gather [hbm4b:s6+s3], $0x80, v3, vm0, $0xb8;
	[tilespmem:$0x18200] =	vst v63  }
0x370: {  	s28 =	simm.s32 $0x3A00  }
0x371: {  	[tilespmem:s28], [sflag:$0x1] =	stream.indirect_vreg.gather [hbm4b:s7+s3], $0x80, v3, vm0, $0xb8;
	[tilespmem:$0x18200] =	vst v63  }
0x372: {  	_ =	swait.ge [sflag:s29], $0x4000  }
0x373: {  	[sflag:s29] =	ssyncset.done $0x0  }
0x374: {  	s23 =	simm.s32 $0x4200;
	s10 =	rddreg [dreg:$0x1d];
	[sflag:s29] =	ssyncadd.s32 $0xFFFFC000  }
0x375: {  	[hbm4b:s10+s3] =	stream.linear.scatter [tilespmem:s23], [sflag:$0x8], $0x4000, $0x38;
	[tilespmem:$0x18200] =	vst v63  }
0x376: {  	_ =	swait.ge [sflag:s31], $0x4000  }
0x377: {  	[sflag:s31] =	ssyncset.done $0x0  }
0x378: {  	[sflag:s31] =	ssyncadd.s32 $0xFFFFC000  }
0x379: {  	v3 =	vld [tilespmem:$0x1F0];
	_ =	sdelay $0x4  }
0x37a: {  	v63 =	vshll.u32 v3, $0x3  }
0x37b: {  	v3 =	vand.u32 $0x7, v3;
	v4 =	vand.u32 $0xFFFFFFC0, v63  }
0x37c: {  	v3 =	vor.u32 v3, v4  }
0x37d: {  	v4 =	vperm.xlane v3, v0;
	_ =	sdelay $0x1  }
0x37e: {  	v4 =	vadd.s32 v1, v4;
	_ =	sdelay $0x4  }
0x37f: {  	[tilespmem:s23], [sflag:$0x2] =	stream.indirect_vreg.gather [hbm4b:s1+s3], $0x80, v4, vm0, $0xb8;
	[tilespmem:$0x18200] =	vst v63  }
0x380: {  	s24 =	simm.s32 $0x4A00;
	v3 =	vperm.xlane v3, v2  }
0x381: {  	[tilespmem:s24], [sflag:$0x2] =	stream.indirect_vreg.gather [hbm4b:s5+s3], $0x80, v4, vm0, $0xb8;
	[tilespmem:$0x18200] =	vst v63  }
0x382: {  	s30 =	simm.s32 $0x5200;
	v3 =	vadd.s32 v1, v3  }
0x383: {  	[tilespmem:s30], [sflag:$0x2] =	stream.indirect_vreg.gather [hbm4b:s6+s3], $0x80, v4, vm0, $0xb8;
	[tilespmem:$0x18200] =	vst v63  }
0x384: {  	s21 =	simm.s32 $0x5A00  }
0x385: {  	[tilespmem:s21], [sflag:$0x2] =	stream.indirect_vreg.gather [hbm4b:s7+s3], $0x80, v4, vm0, $0xb8;
	[tilespmem:$0x18200] =	vst v63  }
0x386: {  	s25 =	simm.s32 $0x6200  }
0x387: {  	[tilespmem:s25], [sflag:$0x2] =	stream.indirect_vreg.gather [hbm4b:s1+s3], $0x80, v3, vm0, $0xb8;
	[tilespmem:$0x18200] =	vst v63  }
0x388: {  	s28 =	simm.s32 $0x6A00  }
0x389: {  	[tilespmem:s28], [sflag:$0x2] =	stream.indirect_vreg.gather [hbm4b:s5+s3], $0x80, v3, vm0, $0xb8;
	[tilespmem:$0x18200] =	vst v63  }
0x38a: {  	s30 =	simm.s32 $0x7200  }
0x38b: {  	[tilespmem:s30], [sflag:$0x2] =	stream.indirect_vreg.gather [hbm4b:s6+s3], $0x80, v3, vm0, $0xb8;
	[tilespmem:$0x18200] =	vst v63  }
0x38c: {  	s19 =	simm.s32 $0x7A00  }
0x38d: {  	[tilespmem:s19], [sflag:$0x2] =	stream.indirect_vreg.gather [hbm4b:s7+s3], $0x80, v3, vm0, $0xb8;
	[tilespmem:$0x18200] =	vst v63  }
0x38e: {  	_ =	swait.ge [sflag:s18], $0x4000  }
0x38f: {  	[sflag:s18] =	ssyncset.done $0x0  }
0x390: {  	s20 =	simm.s32 $0x8200;
	s21 =	rddreg [dreg:$0x1e];
	[sflag:s18] =	ssyncadd.s32 $0xFFFFC000  }
0x391: {  	[hbm4b:s21+s3] =	stream.linear.scatter [tilespmem:s20], [sflag:$0x9], $0x4000, $0x38;
	[tilespmem:$0x18200] =	vst v63  }
0x392: {  	_ =	swait.ge [sflag:s12], $0x4000  }
0x393: {  	[sflag:s12] =	ssyncset.done $0x0  }
0x394: {  	s22 =	simm.s32 $0xC200;
	s23 =	rddreg [dreg:$0x1f];
	[sflag:s12] =	ssyncadd.s32 $0xFFFFC000  }
0x395: {  	[hbm4b:s23+s3] =	stream.linear.scatter [tilespmem:s22], [sflag:$0xA], $0x4000, $0x38;
	[tilespmem:$0x18200] =	vst v63  }
0x396: {  	_ =	swait.ge [sflag:s14], $0x4000  }
0x397: {  	s24 =	sld [smem:$0x7F9]  }
0x398: {  	[sflag:s14] =	ssyncset.done $0x0  }
0x399: {  	s26 =	simm.s32 $0x10200;
	[sflag:s14] =	ssyncadd.s32 $0xFFFFC000  }
0x39a: {  	[hbm4b:s24+s3] =	stream.linear.scatter [tilespmem:s26], [sflag:$0xB], $0x4000, $0x38;
	[tilespmem:$0x18200] =	vst v63  }
0x39b: {  	_ =	swait.ge [sflag:s16], $0x4000  }
0x39c: {  	s25 =	sld [smem:$0x7FA]  }
0x39d: {  	[sflag:s16] =	ssyncset.done $0x0  }
0x39e: {  	s8 =	simm.s32 $0x14200;
	[sflag:s16] =	ssyncadd.s32 $0xFFFFC000  }
0x39f: {  	[hbm4b:s25+s3] =	stream.linear.scatter [tilespmem:s8], [sflag:$0xC], $0x4000, $0x38;
	[tilespmem:$0x18200] =	vst v63  }
0x3a0: {  	_ =	swait.ge [sflag:s0], $0x4000  }
0x3a1: {  	s26 =	sld [smem:$0x7FB]  }
0x3a2: {  	[sflag:s0] =	ssyncset.done $0x0  }
0x3a3: {  	s4 =	simm.s32 $0x200;
	[sflag:s0] =	ssyncadd.s32 $0xFFFFC000  }
0x3a4: {  	[hbm4b:s26+s3] =	stream.linear.scatter [tilespmem:s4], [sflag:$0x7], $0x4000, $0x38;
	[tilespmem:$0x18200] =	vst v63  }
0x3a5: {  	_ =	swait.ge [sflag:s29], $0x4000  }
0x3a6: {  	s28 =	sld [smem:$0x7FD]  }
0x3a7: {  	[sflag:s29] =	ssyncset.done $0x0  }
0x3a8: {  	s10 =	simm.s32 $0x4200;
	[sflag:s29] =	ssyncadd.s32 $0xFFFFC000  }
0x3a9: {  	[hbm4b:s28+s3] =	stream.linear.scatter [tilespmem:s10], [sflag:$0x8], $0x4000, $0x38;
	[tilespmem:$0x18200] =	vst v63  }
0x3aa: {  	s30 =	sld [smem:$0x7F8];
	_ =	swait.ge [sflag:s11], $0x4000  }
0x3ab: {  	[sflag:s11] =	ssyncset.done $0x0  }
0x3ac: {  	[sflag:s11] =	ssyncadd.s32 $0xFFFFC000  }
0x3ad: {  	_ =	swait.ge [sflag:s13], $0x4000  }
0x3ae: {  	[sflag:s13] =	ssyncset.done $0x0  }
0x3af: {  	[sflag:s13] =	ssyncadd.s32 $0xFFFFC000  }
0x3b0: {  	_ =	swait.ge [sflag:s15], $0x4000  }
0x3b1: {  	[sflag:s15] =	ssyncset.done $0x0  }
0x3b2: {  	[sflag:s15] =	ssyncadd.s32 $0xFFFFC000  }
0x3b3: {  	_ =	swait.ge [sflag:s17], $0x4000  }
0x3b4: {  	[sflag:s17] =	ssyncset.done $0x0  }
0x3b5: {  	[sflag:s17] =	ssyncadd.s32 $0xFFFFC000  }
0x3b6: {  	p0 =	sne.s32 s30, $0x1;
	_ =	swait.ge [sflag:s9], $0x4000  }
.Ltmp0:
0x3b7: {  	[sflag:s9] =	ssyncset.done $0x0;
	(pc) =	sbr.rel @p0 .LBB2_1-.Ltmp0, $4  }
0x3b8: {  	[sflag:s9] =	ssyncadd.s32 $0xFFFFC000  }
0x3b9: {  	_ =	swait.ge [sflag:s31], $0x4000  }
0x3ba: {  	[sflag:s31] =	ssyncset.done $0x0  }
0x3bb: {  	s4 =	sadd.s32 $0xFFFFFFFF, s30;
	[sflag:s31] =	ssyncadd.s32 $0xFFFFC000  }
0x3bc: {  	_ =	sfence.sel $0x180000  }
0x3bd: {  	[bflag:$0x0] =	sbarrier.arrive $0xFFFF  }
0x3be: {  	_ =	strace $0x90000047  }
0x3bf: {  	s0 =	stileid.u32;
	[bflag:$0x2] =	sbarrier.arrive $0xFFFF  }
0x3c0: {  	p0 =	sne.s32 s0, $0x0;
	s0 =	rddreg [dreg:$0x3]  }
0x3c1: {  	s0 =	sadd.s32 @!p0 $0x100000, s0  }
0x3c2: {  	[sflag:s0] =	ssyncadd.tile.s32 @!p0 $0x1;
	_ =	shalt  }
.Lfunc_end2:
_tile_overlayer_lowered:
.L_overlay_start_2:
0x3c3: {  	(tag) =	ssettag $0x2  }
0x3c4: {  	s0 =	rddreg [dreg:$0x0];
	s2 =	stileid.u32  }
0x3c5: {  	s1 =	rddreg [dreg:$0x1];
	p0 =	sne.s32 s2, $0x0  }
0x3c6: {  	s3 =	rddreg [dreg:$0x2];
	[bflag:$0x3] =	sbarrier.arrive $0xFFFF;
	s2 =	simm.s32 @!p0 $0x1C0D  }
0x3c7: {  	[timem:s3], [sflag:s2] =	dma.local @!p0 [hbm:s0], s1  }
0x3c8: {  	s0 =	simm.s32 @!p0 $0xD  }
0x3c9: {  	_ =	swait.ge @!p0 [sflag:s0], s1  }
0x3ca: {  	s1 =	ssub.s32 @!p0 $0x0, s1;
	[sflag:s0] =	ssyncset.done @!p0 $0x0  }
0x3cb: {  	[sflag:s0] =	ssyncadd.s32 @!p0 s1  }
0x3cc: {  	[bflag:$0x3] =	sbarrier.arrive $0xFFFF  }
0x3cd: {  	_ =	shalt  }

</sc_bundles>
